<compile_context>
chip_gen: v7x
topology: tpu7x:2x2x1
jax: 0.10.2.dev20260603
libtpu: 0.0.44.dev20260713+nightly
codegen_flags: <defaults>
</compile_context>

<pallas_src>
import functools

import jax
import jax.numpy as jnp
from jax import lax
from jax.experimental import pallas as pl
from jax.experimental.pallas import tpu as pltpu
from jax.experimental.pallas import tpu_sc as plsc

T = 1000
TP = 1024
D = 128
B = 16384


def _mlp_body(table_ref, w1_ref, b1_ref, w2_ref, b2_ref, y_ref):
    h = jnp.dot(table_ref[...], w1_ref[...], preferred_element_type=jnp.float32)
    h = h + b1_ref[...]
    h = h * jax.nn.sigmoid(h)
    y = jnp.dot(h, w2_ref[...], preferred_element_type=jnp.float32)
    y_ref[: T, :] = y + b2_ref[...]
    y_ref[T:, :] = jnp.zeros((TP - T, D), jnp.float32)


def _mlp_table(table, W1, b1, W2, b2):
    return pl.pallas_call(
        _mlp_body,
        out_shape=jax.ShapeDtypeStruct((TP, D), jnp.float32),
        compiler_params=pltpu.CompilerParams(skip_device_barrier=True),
    )(table, W1, b1.reshape(1, D), W2, b2.reshape(1, D))


def _make_gather():
    info = plsc.get_sparse_core_info()
    nc, ns = info.num_cores, info.num_subcores
    nw = nc * ns
    b_per_w = B // nw
    chunk = 64
    nchunks = b_per_w // chunk
    rows_per_tile = TP // ns
    mesh = plsc.VectorSubcoreMesh(core_axis_name="c", subcore_axis_name="s")

    @functools.partial(
        pl.kernel,
        mesh=mesh,
        compiler_params=pltpu.CompilerParams(skip_device_barrier=True),
        out_type=jax.ShapeDtypeStruct((B, D), jnp.float32),
        scratch_types=[
            pltpu.VMEM((b_per_w,), jnp.int32),
            pltpu.VMEM((b_per_w, D), jnp.float32),
            pltpu.VMEM_SHARED((TP, D), jnp.float32),
            pltpu.SemaphoreType.DMA,
        ] + [pltpu.SemaphoreType.DMA] * (b_per_w // 64) + [
            pltpu.SemaphoreType.DMA,
        ],
    )
    def gather_k(y_hbm, idx_hbm, out_hbm, idx_v, rows_v, y_sh,
                 isem, *gw_sems):
        gsems = gw_sems[:-1]
        wsem = gw_sems[-1]
        cid = lax.axis_index("c")
        sid = lax.axis_index("s")
        wid = sid * nc + cid
        base = wid * b_per_w

        def g_src(j):
            return y_sh

        def g_copy(j):
            return pltpu.make_async_copy(
                g_src(j).at[idx_v.at[pl.ds(j * chunk, chunk)]],
                rows_v.at[pl.ds(j * chunk, chunk)],
                gsems[j],
            )

        def w_copy(j):
            return pltpu.make_async_copy(
                rows_v.at[pl.ds(j * chunk, chunk)],
                out_hbm.at[pl.ds(base + j * chunk, chunk)],
                wsem,
            )

        pltpu.async_copy(idx_hbm.at[pl.ds(base, b_per_w)], idx_v, isem)
        r0 = sid * rows_per_tile
        pltpu.sync_copy(
            y_hbm.at[pl.ds(r0, rows_per_tile)], y_sh.at[pl.ds(r0, rows_per_tile)]
        )
        pltpu.make_async_copy(
            idx_hbm.at[pl.ds(base, b_per_w)], idx_v, isem
        ).wait()
        plsc.subcore_barrier()
        for j in range(nchunks):
            g_copy(j).start()
        for j in range(nchunks):
            g_copy(j).wait()
            w_copy(j).start()
        for j in range(nchunks):
            w_copy(j).wait()

    return gather_k


_gather = _make_gather()


def kernel(t, table, W1, b1, W2, b2):
    y = _mlp_table(table, W1, b1, W2, b2)
    idx = t.astype(jnp.int32)
    return _gather(y, idx)

# --- scband reference (transcript-rebuilt; emitter-appended) ---
"""Pipeline reference for scband-simple-time-embedding-32435593020113 (READ-ONLY COPY).

The authoritative reference and input builder live on the scoring server;
editing this copy changes nothing except your own understanding.
"""

import jax, jax.numpy as jnp
import numpy as np

T = 1000
T_EMBED_DIM = 128
EMBED_DIM = 128
BATCH = 16384

def setup_inputs(seed: int = 0) -> dict:
    key = jax.random.key(seed)
    k_t, k_tab, k_w1, k_b1, k_w2, k_b2 = jax.random.split(key, 6)
    t = jax.random.randint(k_t, (BATCH,), 0, T, dtype=jnp.int64 if jax.config.jax_enable_x64 else jnp.int32)
    table = jax.random.normal(k_tab, (T, T_EMBED_DIM), dtype=jnp.float32)
    # nn.Linear default init: U(-1/sqrt(fan_in), 1/sqrt(fan_in))
    lim1 = 1.0 / np.sqrt(T_EMBED_DIM)
    W1 = jax.random.uniform(k_w1, (T_EMBED_DIM, EMBED_DIM), minval=-lim1, maxval=lim1, dtype=jnp.float32)
    b1 = jax.random.uniform(k_b1, (EMBED_DIM,), minval=-lim1, maxval=lim1, dtype=jnp.float32)
    lim2 = 1.0 / np.sqrt(EMBED_DIM)
    W2 = jax.random.uniform(k_w2, (EMBED_DIM, EMBED_DIM), minval=-lim2, maxval=lim2, dtype=jnp.float32)
    b2 = jax.random.uniform(k_b2, (EMBED_DIM,), minval=-lim2, maxval=lim2, dtype=jnp.float32)
    return {"t": t, "table": table, "W1": W1, "b1": b1, "W2": W2, "b2": b2}

def reference(t, table, W1, b1, W2, b2):
    # embedding lookup
    emb = jnp.take(table, t, axis=0)  # [B, t_embed_dim]
    # mlp: Linear -> SiLU -> Linear
    h = emb @ W1 + b1
    h = h * jax.nn.sigmoid(h)  # SiLU
    out = h @ W2 + b2
    return out

if __name__ == "__main__":
    import jax
    _d = setup_inputs()
    print(jax.jit(kernel)(*tuple(_d.values())))

</pallas_src>

<mosaic_0001>
#map = affine_map<(d0, d1) -> (0, 0)>
#map1 = affine_map<(d0, d1) -> (0)>
module attributes {stable_mosaic.version = 14 : i64} {
  func.func @gather_k(%arg0: i32, %arg1: i32, %arg2: memref<1024x128xf32, #tpu.memory_space<hbm>>, %arg3: memref<16384xi32, #tpu.memory_space<hbm>>, %arg4: memref<16384x128xf32, #tpu.memory_space<hbm>>, %arg5: memref<512xi32, #tpu.memory_space<vmem>>, %arg6: memref<512x128xf32, #tpu.memory_space<vmem>>, %arg7: memref<1024x128xf32, #tpu.memory_space<vmem_shared>>, %arg8: memref<!tpu.dma_semaphore, #tpu.memory_space<semaphore_mem>>, %arg9: memref<!tpu.dma_semaphore, #tpu.memory_space<semaphore_mem>>, %arg10: memref<!tpu.dma_semaphore, #tpu.memory_space<semaphore_mem>>, %arg11: memref<!tpu.dma_semaphore, #tpu.memory_space<semaphore_mem>>, %arg12: memref<!tpu.dma_semaphore, #tpu.memory_space<semaphore_mem>>, %arg13: memref<!tpu.dma_semaphore, #tpu.memory_space<semaphore_mem>>, %arg14: memref<!tpu.dma_semaphore, #tpu.memory_space<semaphore_mem>>, %arg15: memref<!tpu.dma_semaphore, #tpu.memory_space<semaphore_mem>>, %arg16: memref<!tpu.dma_semaphore, #tpu.memory_space<semaphore_mem>>, %arg17: memref<!tpu.dma_semaphore, #tpu.memory_space<semaphore_mem>>) attributes {dimension_semantics = [#tpu.dimension_semantics<core_parallel>, #tpu.dimension_semantics<subcore_parallel>], iteration_bounds = array<i64: 2, 16>, scalar_prefetch = 0 : i64, scratch_operands = 13 : i64, tpu.core_type = #tpu.core_type<sc_vector_subcore>, window_params = [{transform_indices = #map}, {transform_indices = #map1}, {transform_indices = #map}]} {
    %mul3A = arith.constant 2 : i32
    %mul3A_0 = arith.muli %arg1, %mul3A : i32
    %add3A = arith.addi %mul3A_0, %arg0 : i32
    %mul3A_1 = arith.constant 512 : i32
    %mul3A_2 = arith.muli %add3A, %mul3A_1 : i32
    %dma_start3A = tpu.memref_slice %arg3[%mul3A_2] : memref<16384xi32, #tpu.memory_space<hbm>> -> memref<512xi32, #tpu.memory_space<hbm>>
    %dma_start3A_3 = tpu.memref_slice %arg3[%mul3A_2] : memref<16384xi32, #tpu.memory_space<hbm>> -> memref<512xi32, #tpu.memory_space<hbm>>
    tpu.enqueue_dma source(%dma_start3A_3 : memref<512xi32, #tpu.memory_space<hbm>>) target(%arg5 : memref<512xi32, #tpu.memory_space<vmem>>) target_semaphore(%arg8 : memref<!tpu.dma_semaphore, #tpu.memory_space<semaphore_mem>>)
    %mul3A_4 = arith.constant 64 : i32
    %mul3A_5 = arith.muli %arg1, %mul3A_4 : i32
    "tpu.region"() ({
      %run_scoped3A = tpu.sem_alloc : memref<!tpu.dma_semaphore, #tpu.memory_space<semaphore_mem>>
      %dma_start3A_327 = arith.constant 0 : i32
      %dma_start3A_328 = tpu.memref_slice %arg7[%mul3A_5, %dma_start3A_327] : memref<1024x128xf32, #tpu.memory_space<vmem_shared>> -> memref<64x128xf32, #tpu.memory_space<vmem_shared>>
      %dma_start3A_329 = arith.constant 0 : i32
      %dma_start3A_330 = tpu.memref_slice %arg2[%mul3A_5, %dma_start3A_329] : memref<1024x128xf32, #tpu.memory_space<hbm>> -> memref<64x128xf32, #tpu.memory_space<hbm>>
      tpu.enqueue_dma source(%dma_start3A_330 : memref<64x128xf32, #tpu.memory_space<hbm>>) target(%dma_start3A_328 : memref<64x128xf32, #tpu.memory_space<vmem_shared>>) target_semaphore(%run_scoped3A : memref<!tpu.dma_semaphore, #tpu.memory_space<semaphore_mem>>)
      %dma_wait3A_331 = arith.constant 0 : i32
      %dma_wait3A_332 = tpu.memref_slice %arg7[%mul3A_5, %dma_wait3A_331] : memref<1024x128xf32, #tpu.memory_space<vmem_shared>> -> memref<64x128xf32, #tpu.memory_space<vmem_shared>>
      %dma_wait3A_333 = arith.constant 0 : i32
      %dma_wait3A_334 = tpu.memref_slice %arg2[%mul3A_5, %dma_wait3A_333] : memref<1024x128xf32, #tpu.memory_space<hbm>> -> memref<64x128xf32, #tpu.memory_space<hbm>>
      tpu.wait_dma2 semaphore(%run_scoped3A : memref<!tpu.dma_semaphore, #tpu.memory_space<semaphore_mem>>) src(%dma_wait3A_334 : memref<64x128xf32, #tpu.memory_space<hbm>>) dst(%dma_wait3A_332 : memref<64x128xf32, #tpu.memory_space<vmem_shared>>)
      tpu.yield
    }) : () -> ()
    %dma_wait3A = tpu.memref_slice %arg3[%mul3A_2] : memref<16384xi32, #tpu.memory_space<hbm>> -> memref<512xi32, #tpu.memory_space<hbm>>
    %dma_wait3A_6 = tpu.memref_slice %arg3[%mul3A_2] : memref<16384xi32, #tpu.memory_space<hbm>> -> memref<512xi32, #tpu.memory_space<hbm>>
    tpu.wait_dma2 semaphore(%arg8 : memref<!tpu.dma_semaphore, #tpu.memory_space<semaphore_mem>>) src(%dma_wait3A_6 : memref<512xi32, #tpu.memory_space<hbm>>) dst(%arg5 : memref<512xi32, #tpu.memory_space<vmem>>)
    %barrier3A = arith.constant 0 : index
    tpu.barrier barrier_id(%barrier3A)
    %dma_start3A_7 = arith.constant 0 : i32
    %dma_start3A_8 = arith.constant 0 : i32
    %dma_start3A_9 = tpu.memref_slice %arg6[%dma_start3A_7, %dma_start3A_8] : memref<512x128xf32, #tpu.memory_space<vmem>> -> memref<64x128xf32, #tpu.memory_space<vmem>>
    %dma_start3A_10 = arith.constant 0 : i32
    %dma_start3A_11 = tpu.memref_slice %arg5[%dma_start3A_10] : memref<512xi32, #tpu.memory_space<vmem>> -> memref<64xi32, #tpu.memory_space<vmem>>
    %dma_start3A_12 = arith.constant 0 : i32
    %dma_start3A_13 = arith.constant 0 : i32
    %dma_start3A_14 = tpu.memref_slice %arg7[%dma_start3A_12, %dma_start3A_13] : memref<1024x128xf32, #tpu.memory_space<vmem_shared>> -> memref<1024x128xf32, #tpu.memory_space<vmem_shared>>
    tpu.enqueue_indirect_dma source(%dma_start3A_14 : memref<1024x128xf32, #tpu.memory_space<vmem_shared>>) target(%dma_start3A_9 : memref<64x128xf32, #tpu.memory_space<vmem>>) offsets(%dma_start3A_11 : memref<64xi32, #tpu.memory_space<vmem>>) semaphore(%arg9 : memref<!tpu.dma_semaphore, #tpu.memory_space<semaphore_mem>>)
    %dma_start3A_15 = arith.constant 64 : i32
    %dma_start3A_16 = arith.constant 0 : i32
    %dma_start3A_17 = tpu.memref_slice %arg6[%dma_start3A_15, %dma_start3A_16] : memref<512x128xf32, #tpu.memory_space<vmem>> -> memref<64x128xf32, #tpu.memory_space<vmem>>
    %dma_start3A_18 = arith.constant 64 : i32
    %dma_start3A_19 = tpu.memref_slice %arg5[%dma_start3A_18] : memref<512xi32, #tpu.memory_space<vmem>> -> memref<64xi32, #tpu.memory_space<vmem>>
    %dma_start3A_20 = arith.constant 0 : i32
    %dma_start3A_21 = arith.constant 0 : i32
    %dma_start3A_22 = tpu.memref_slice %arg7[%dma_start3A_20, %dma_start3A_21] : memref<1024x128xf32, #tpu.memory_space<vmem_shared>> -> memref<1024x128xf32, #tpu.memory_space<vmem_shared>>
    tpu.enqueue_indirect_dma source(%dma_start3A_22 : memref<1024x128xf32, #tpu.memory_space<vmem_shared>>) target(%dma_start3A_17 : memref<64x128xf32, #tpu.memory_space<vmem>>) offsets(%dma_start3A_19 : memref<64xi32, #tpu.memory_space<vmem>>) semaphore(%arg10 : memref<!tpu.dma_semaphore, #tpu.memory_space<semaphore_mem>>)
    %dma_start3A_23 = arith.constant 128 : i32
    %dma_start3A_24 = arith.constant 0 : i32
    %dma_start3A_25 = tpu.memref_slice %arg6[%dma_start3A_23, %dma_start3A_24] : memref<512x128xf32, #tpu.memory_space<vmem>> -> memref<64x128xf32, #tpu.memory_space<vmem>>
    %dma_start3A_26 = arith.constant 128 : i32
    %dma_start3A_27 = tpu.memref_slice %arg5[%dma_start3A_26] : memref<512xi32, #tpu.memory_space<vmem>> -> memref<64xi32, #tpu.memory_space<vmem>>
    %dma_start3A_28 = arith.constant 0 : i32
    %dma_start3A_29 = arith.constant 0 : i32
    %dma_start3A_30 = tpu.memref_slice %arg7[%dma_start3A_28, %dma_start3A_29] : memref<1024x128xf32, #tpu.memory_space<vmem_shared>> -> memref<1024x128xf32, #tpu.memory_space<vmem_shared>>
    tpu.enqueue_indirect_dma source(%dma_start3A_30 : memref<1024x128xf32, #tpu.memory_space<vmem_shared>>) target(%dma_start3A_25 : memref<64x128xf32, #tpu.memory_space<vmem>>) offsets(%dma_start3A_27 : memref<64xi32, #tpu.memory_space<vmem>>) semaphore(%arg11 : memref<!tpu.dma_semaphore, #tpu.memory_space<semaphore_mem>>)
    %dma_start3A_31 = arith.constant 192 : i32
    %dma_start3A_32 = arith.constant 0 : i32
    %dma_start3A_33 = tpu.memref_slice %arg6[%dma_start3A_31, %dma_start3A_32] : memref<512x128xf32, #tpu.memory_space<vmem>> -> memref<64x128xf32, #tpu.memory_space<vmem>>
    %dma_start3A_34 = arith.constant 192 : i32
    %dma_start3A_35 = tpu.memref_slice %arg5[%dma_start3A_34] : memref<512xi32, #tpu.memory_space<vmem>> -> memref<64xi32, #tpu.memory_space<vmem>>
    %dma_start3A_36 = arith.constant 0 : i32
    %dma_start3A_37 = arith.constant 0 : i32
    %dma_start3A_38 = tpu.memref_slice %arg7[%dma_start3A_36, %dma_start3A_37] : memref<1024x128xf32, #tpu.memory_space<vmem_shared>> -> memref<1024x128xf32, #tpu.memory_space<vmem_shared>>
    tpu.enqueue_indirect_dma source(%dma_start3A_38 : memref<1024x128xf32, #tpu.memory_space<vmem_shared>>) target(%dma_start3A_33 : memref<64x128xf32, #tpu.memory_space<vmem>>) offsets(%dma_start3A_35 : memref<64xi32, #tpu.memory_space<vmem>>) semaphore(%arg12 : memref<!tpu.dma_semaphore, #tpu.memory_space<semaphore_mem>>)
    %dma_start3A_39 = arith.constant 256 : i32
    %dma_start3A_40 = arith.constant 0 : i32
    %dma_start3A_41 = tpu.memref_slice %arg6[%dma_start3A_39, %dma_start3A_40] : memref<512x128xf32, #tpu.memory_space<vmem>> -> memref<64x128xf32, #tpu.memory_space<vmem>>
    %dma_start3A_42 = arith.constant 256 : i32
    %dma_start3A_43 = tpu.memref_slice %arg5[%dma_start3A_42] : memref<512xi32, #tpu.memory_space<vmem>> -> memref<64xi32, #tpu.memory_space<vmem>>
    %dma_start3A_44 = arith.constant 0 : i32
    %dma_start3A_45 = arith.constant 0 : i32
    %dma_start3A_46 = tpu.memref_slice %arg7[%dma_start3A_44, %dma_start3A_45] : memref<1024x128xf32, #tpu.memory_space<vmem_shared>> -> memref<1024x128xf32, #tpu.memory_space<vmem_shared>>
    tpu.enqueue_indirect_dma source(%dma_start3A_46 : memref<1024x128xf32, #tpu.memory_space<vmem_shared>>) target(%dma_start3A_41 : memref<64x128xf32, #tpu.memory_space<vmem>>) offsets(%dma_start3A_43 : memref<64xi32, #tpu.memory_space<vmem>>) semaphore(%arg13 : memref<!tpu.dma_semaphore, #tpu.memory_space<semaphore_mem>>)
    %dma_start3A_47 = arith.constant 320 : i32
    %dma_start3A_48 = arith.constant 0 : i32
    %dma_start3A_49 = tpu.memref_slice %arg6[%dma_start3A_47, %dma_start3A_48] : memref<512x128xf32, #tpu.memory_space<vmem>> -> memref<64x128xf32, #tpu.memory_space<vmem>>
    %dma_start3A_50 = arith.constant 320 : i32
    %dma_start3A_51 = tpu.memref_slice %arg5[%dma_start3A_50] : memref<512xi32, #tpu.memory_space<vmem>> -> memref<64xi32, #tpu.memory_space<vmem>>
    %dma_start3A_52 = arith.constant 0 : i32
    %dma_start3A_53 = arith.constant 0 : i32
    %dma_start3A_54 = tpu.memref_slice %arg7[%dma_start3A_52, %dma_start3A_53] : memref<1024x128xf32, #tpu.memory_space<vmem_shared>> -> memref<1024x128xf32, #tpu.memory_space<vmem_shared>>
    tpu.enqueue_indirect_dma source(%dma_start3A_54 : memref<1024x128xf32, #tpu.memory_space<vmem_shared>>) target(%dma_start3A_49 : memref<64x128xf32, #tpu.memory_space<vmem>>) offsets(%dma_start3A_51 : memref<64xi32, #tpu.memory_space<vmem>>) semaphore(%arg14 : memref<!tpu.dma_semaphore, #tpu.memory_space<semaphore_mem>>)
    %dma_start3A_55 = arith.constant 384 : i32
    %dma_start3A_56 = arith.constant 0 : i32
    %dma_start3A_57 = tpu.memref_slice %arg6[%dma_start3A_55, %dma_start3A_56] : memref<512x128xf32, #tpu.memory_space<vmem>> -> memref<64x128xf32, #tpu.memory_space<vmem>>
    %dma_start3A_58 = arith.constant 384 : i32
    %dma_start3A_59 = tpu.memref_slice %arg5[%dma_start3A_58] : memref<512xi32, #tpu.memory_space<vmem>> -> memref<64xi32, #tpu.memory_space<vmem>>
    %dma_start3A_60 = arith.constant 0 : i32
    %dma_start3A_61 = arith.constant 0 : i32
    %dma_start3A_62 = tpu.memref_slice %arg7[%dma_start3A_60, %dma_start3A_61] : memref<1024x128xf32, #tpu.memory_space<vmem_shared>> -> memref<1024x128xf32, #tpu.memory_space<vmem_shared>>
    tpu.enqueue_indirect_dma source(%dma_start3A_62 : memref<1024x128xf32, #tpu.memory_space<vmem_shared>>) target(%dma_start3A_57 : memref<64x128xf32, #tpu.memory_space<vmem>>) offsets(%dma_start3A_59 : memref<64xi32, #tpu.memory_space<vmem>>) semaphore(%arg15 : memref<!tpu.dma_semaphore, #tpu.memory_space<semaphore_mem>>)
    %dma_start3A_63 = arith.constant 448 : i32
    %dma_start3A_64 = arith.constant 0 : i32
    %dma_start3A_65 = tpu.memref_slice %arg6[%dma_start3A_63, %dma_start3A_64] : memref<512x128xf32, #tpu.memory_space<vmem>> -> memref<64x128xf32, #tpu.memory_space<vmem>>
    %dma_start3A_66 = arith.constant 448 : i32
    %dma_start3A_67 = tpu.memref_slice %arg5[%dma_start3A_66] : memref<512xi32, #tpu.memory_space<vmem>> -> memref<64xi32, #tpu.memory_space<vmem>>
    %dma_start3A_68 = arith.constant 0 : i32
    %dma_start3A_69 = arith.constant 0 : i32
    %dma_start3A_70 = tpu.memref_slice %arg7[%dma_start3A_68, %dma_start3A_69] : memref<1024x128xf32, #tpu.memory_space<vmem_shared>> -> memref<1024x128xf32, #tpu.memory_space<vmem_shared>>
    tpu.enqueue_indirect_dma source(%dma_start3A_70 : memref<1024x128xf32, #tpu.memory_space<vmem_shared>>) target(%dma_start3A_65 : memref<64x128xf32, #tpu.memory_space<vmem>>) offsets(%dma_start3A_67 : memref<64xi32, #tpu.memory_space<vmem>>) semaphore(%arg16 : memref<!tpu.dma_semaphore, #tpu.memory_space<semaphore_mem>>)
    %dma_wait3A_71 = arith.constant 0 : i32
    %dma_wait3A_72 = arith.constant 0 : i32
    %dma_wait3A_73 = tpu.memref_slice %arg6[%dma_wait3A_71, %dma_wait3A_72] : memref<512x128xf32, #tpu.memory_space<vmem>> -> memref<64x128xf32, #tpu.memory_space<vmem>>
    %dma_wait3A_74 = arith.constant 0 : i32
    %dma_wait3A_75 = tpu.memref_slice %arg5[%dma_wait3A_74] : memref<512xi32, #tpu.memory_space<vmem>> -> memref<64xi32, #tpu.memory_space<vmem>>
    %dma_wait3A_76 = arith.constant 0 : i32
    %dma_wait3A_77 = arith.constant 0 : i32
    %dma_wait3A_78 = tpu.memref_slice %arg7[%dma_wait3A_76, %dma_wait3A_77] : memref<1024x128xf32, #tpu.memory_space<vmem_shared>> -> memref<1024x128xf32, #tpu.memory_space<vmem_shared>>
    tpu.wait_indirect_dma semaphore(%arg9 : memref<!tpu.dma_semaphore, #tpu.memory_space<semaphore_mem>>) src(%dma_wait3A_78 : memref<1024x128xf32, #tpu.memory_space<vmem_shared>>) dst(%dma_wait3A_73 : memref<64x128xf32, #tpu.memory_space<vmem>>)
    %add3A_79 = arith.constant 0 : i32
    %add3A_80 = arith.addi %mul3A_2, %add3A_79 : i32
    %dma_start3A_81 = arith.constant 0 : i32
    %dma_start3A_82 = arith.constant 0 : i32
    %dma_start3A_83 = tpu.memref_slice %arg6[%dma_start3A_81, %dma_start3A_82] : memref<512x128xf32, #tpu.memory_space<vmem>> -> memref<64x128xf32, #tpu.memory_space<vmem>>
    %dma_start3A_84 = arith.constant 0 : i32
    %dma_start3A_85 = tpu.memref_slice %arg4[%add3A_80, %dma_start3A_84] : memref<16384x128xf32, #tpu.memory_space<hbm>> -> memref<64x128xf32, #tpu.memory_space<hbm>>
    %dma_start3A_86 = arith.constant 0 : i32
    %dma_start3A_87 = tpu.memref_slice %arg4[%add3A_80, %dma_start3A_86] : memref<16384x128xf32, #tpu.memory_space<hbm>> -> memref<64x128xf32, #tpu.memory_space<hbm>>
    %dma_start3A_88 = arith.constant 0 : i32
    %dma_start3A_89 = arith.constant 0 : i32
    %dma_start3A_90 = tpu.memref_slice %arg6[%dma_start3A_88, %dma_start3A_89] : memref<512x128xf32, #tpu.memory_space<vmem>> -> memref<64x128xf32, #tpu.memory_space<vmem>>
    tpu.enqueue_dma source(%dma_start3A_90 : memref<64x128xf32, #tpu.memory_space<vmem>>) target(%dma_start3A_87 : memref<64x128xf32, #tpu.memory_space<hbm>>) target_semaphore(%arg17 : memref<!tpu.dma_semaphore, #tpu.memory_space<semaphore_mem>>)
    %dma_wait3A_91 = arith.constant 64 : i32
    %dma_wait3A_92 = arith.constant 0 : i32
    %dma_wait3A_93 = tpu.memref_slice %arg6[%dma_wait3A_91, %dma_wait3A_92] : memref<512x128xf32, #tpu.memory_space<vmem>> -> memref<64x128xf32, #tpu.memory_space<vmem>>
    %dma_wait3A_94 = arith.constant 64 : i32
    %dma_wait3A_95 = tpu.memref_slice %arg5[%dma_wait3A_94] : memref<512xi32, #tpu.memory_space<vmem>> -> memref<64xi32, #tpu.memory_space<vmem>>
    %dma_wait3A_96 = arith.constant 0 : i32
    %dma_wait3A_97 = arith.constant 0 : i32
    %dma_wait3A_98 = tpu.memref_slice %arg7[%dma_wait3A_96, %dma_wait3A_97] : memref<1024x128xf32, #tpu.memory_space<vmem_shared>> -> memref<1024x128xf32, #tpu.memory_space<vmem_shared>>
    tpu.wait_indirect_dma semaphore(%arg10 : memref<!tpu.dma_semaphore, #tpu.memory_space<semaphore_mem>>) src(%dma_wait3A_98 : memref<1024x128xf32, #tpu.memory_space<vmem_shared>>) dst(%dma_wait3A_93 : memref<64x128xf32, #tpu.memory_space<vmem>>)
    %add3A_99 = arith.constant 64 : i32
    %add3A_100 = arith.addi %mul3A_2, %add3A_99 : i32
    %dma_start3A_101 = arith.constant 64 : i32
    %dma_start3A_102 = arith.constant 0 : i32
    %dma_start3A_103 = tpu.memref_slice %arg6[%dma_start3A_101, %dma_start3A_102] : memref<512x128xf32, #tpu.memory_space<vmem>> -> memref<64x128xf32, #tpu.memory_space<vmem>>
    %dma_start3A_104 = arith.constant 0 : i32
    %dma_start3A_105 = tpu.memref_slice %arg4[%add3A_100, %dma_start3A_104] : memref<16384x128xf32, #tpu.memory_space<hbm>> -> memref<64x128xf32, #tpu.memory_space<hbm>>
    %dma_start3A_106 = arith.constant 0 : i32
    %dma_start3A_107 = tpu.memref_slice %arg4[%add3A_100, %dma_start3A_106] : memref<16384x128xf32, #tpu.memory_space<hbm>> -> memref<64x128xf32, #tpu.memory_space<hbm>>
    %dma_start3A_108 = arith.constant 64 : i32
    %dma_start3A_109 = arith.constant 0 : i32
    %dma_start3A_110 = tpu.memref_slice %arg6[%dma_start3A_108, %dma_start3A_109] : memref<512x128xf32, #tpu.memory_space<vmem>> -> memref<64x128xf32, #tpu.memory_space<vmem>>
    tpu.enqueue_dma source(%dma_start3A_110 : memref<64x128xf32, #tpu.memory_space<vmem>>) target(%dma_start3A_107 : memref<64x128xf32, #tpu.memory_space<hbm>>) target_semaphore(%arg17 : memref<!tpu.dma_semaphore, #tpu.memory_space<semaphore_mem>>)
    %dma_wait3A_111 = arith.constant 128 : i32
    %dma_wait3A_112 = arith.constant 0 : i32
    %dma_wait3A_113 = tpu.memref_slice %arg6[%dma_wait3A_111, %dma_wait3A_112] : memref<512x128xf32, #tpu.memory_space<vmem>> -> memref<64x128xf32, #tpu.memory_space<vmem>>
    %dma_wait3A_114 = arith.constant 128 : i32
    %dma_wait3A_115 = tpu.memref_slice %arg5[%dma_wait3A_114] : memref<512xi32, #tpu.memory_space<vmem>> -> memref<64xi32, #tpu.memory_space<vmem>>
    %dma_wait3A_116 = arith.constant 0 : i32
    %dma_wait3A_117 = arith.constant 0 : i32
    %dma_wait3A_118 = tpu.memref_slice %arg7[%dma_wait3A_116, %dma_wait3A_117] : memref<1024x128xf32, #tpu.memory_space<vmem_shared>> -> memref<1024x128xf32, #tpu.memory_space<vmem_shared>>
    tpu.wait_indirect_dma semaphore(%arg11 : memref<!tpu.dma_semaphore, #tpu.memory_space<semaphore_mem>>) src(%dma_wait3A_118 : memref<1024x128xf32, #tpu.memory_space<vmem_shared>>) dst(%dma_wait3A_113 : memref<64x128xf32, #tpu.memory_space<vmem>>)
    %add3A_119 = arith.constant 128 : i32
    %add3A_120 = arith.addi %mul3A_2, %add3A_119 : i32
    %dma_start3A_121 = arith.constant 128 : i32
    %dma_start3A_122 = arith.constant 0 : i32
    %dma_start3A_123 = tpu.memref_slice %arg6[%dma_start3A_121, %dma_start3A_122] : memref<512x128xf32, #tpu.memory_space<vmem>> -> memref<64x128xf32, #tpu.memory_space<vmem>>
    %dma_start3A_124 = arith.constant 0 : i32
    %dma_start3A_125 = tpu.memref_slice %arg4[%add3A_120, %dma_start3A_124] : memref<16384x128xf32, #tpu.memory_space<hbm>> -> memref<64x128xf32, #tpu.memory_space<hbm>>
    %dma_start3A_126 = arith.constant 0 : i32
    %dma_start3A_127 = tpu.memref_slice %arg4[%add3A_120, %dma_start3A_126] : memref<16384x128xf32, #tpu.memory_space<hbm>> -> memref<64x128xf32, #tpu.memory_space<hbm>>
    %dma_start3A_128 = arith.constant 128 : i32
    %dma_start3A_129 = arith.constant 0 : i32
    %dma_start3A_130 = tpu.memref_slice %arg6[%dma_start3A_128, %dma_start3A_129] : memref<512x128xf32, #tpu.memory_space<vmem>> -> memref<64x128xf32, #tpu.memory_space<vmem>>
    tpu.enqueue_dma source(%dma_start3A_130 : memref<64x128xf32, #tpu.memory_space<vmem>>) target(%dma_start3A_127 : memref<64x128xf32, #tpu.memory_space<hbm>>) target_semaphore(%arg17 : memref<!tpu.dma_semaphore, #tpu.memory_space<semaphore_mem>>)
    %dma_wait3A_131 = arith.constant 192 : i32
    %dma_wait3A_132 = arith.constant 0 : i32
    %dma_wait3A_133 = tpu.memref_slice %arg6[%dma_wait3A_131, %dma_wait3A_132] : memref<512x128xf32, #tpu.memory_space<vmem>> -> memref<64x128xf32, #tpu.memory_space<vmem>>
    %dma_wait3A_134 = arith.constant 192 : i32
    %dma_wait3A_135 = tpu.memref_slice %arg5[%dma_wait3A_134] : memref<512xi32, #tpu.memory_space<vmem>> -> memref<64xi32, #tpu.memory_space<vmem>>
    %dma_wait3A_136 = arith.constant 0 : i32
    %dma_wait3A_137 = arith.constant 0 : i32
    %dma_wait3A_138 = tpu.memref_slice %arg7[%dma_wait3A_136, %dma_wait3A_137] : memref<1024x128xf32, #tpu.memory_space<vmem_shared>> -> memref<1024x128xf32, #tpu.memory_space<vmem_shared>>
    tpu.wait_indirect_dma semaphore(%arg12 : memref<!tpu.dma_semaphore, #tpu.memory_space<semaphore_mem>>) src(%dma_wait3A_138 : memref<1024x128xf32, #tpu.memory_space<vmem_shared>>) dst(%dma_wait3A_133 : memref<64x128xf32, #tpu.memory_space<vmem>>)
    %add3A_139 = arith.constant 192 : i32
    %add3A_140 = arith.addi %mul3A_2, %add3A_139 : i32
    %dma_start3A_141 = arith.constant 192 : i32
    %dma_start3A_142 = arith.constant 0 : i32
    %dma_start3A_143 = tpu.memref_slice %arg6[%dma_start3A_141, %dma_start3A_142] : memref<512x128xf32, #tpu.memory_space<vmem>> -> memref<64x128xf32, #tpu.memory_space<vmem>>
    %dma_start3A_144 = arith.constant 0 : i32
    %dma_start3A_145 = tpu.memref_slice %arg4[%add3A_140, %dma_start3A_144] : memref<16384x128xf32, #tpu.memory_space<hbm>> -> memref<64x128xf32, #tpu.memory_space<hbm>>
    %dma_start3A_146 = arith.constant 0 : i32
    %dma_start3A_147 = tpu.memref_slice %arg4[%add3A_140, %dma_start3A_146] : memref<16384x128xf32, #tpu.memory_space<hbm>> -> memref<64x128xf32, #tpu.memory_space<hbm>>
    %dma_start3A_148 = arith.constant 192 : i32
    %dma_start3A_149 = arith.constant 0 : i32
    %dma_start3A_150 = tpu.memref_slice %arg6[%dma_start3A_148, %dma_start3A_149] : memref<512x128xf32, #tpu.memory_space<vmem>> -> memref<64x128xf32, #tpu.memory_space<vmem>>
    tpu.enqueue_dma source(%dma_start3A_150 : memref<64x128xf32, #tpu.memory_space<vmem>>) target(%dma_start3A_147 : memref<64x128xf32, #tpu.memory_space<hbm>>) target_semaphore(%arg17 : memref<!tpu.dma_semaphore, #tpu.memory_space<semaphore_mem>>)
    %dma_wait3A_151 = arith.constant 256 : i32
    %dma_wait3A_152 = arith.constant 0 : i32
    %dma_wait3A_153 = tpu.memref_slice %arg6[%dma_wait3A_151, %dma_wait3A_152] : memref<512x128xf32, #tpu.memory_space<vmem>> -> memref<64x128xf32, #tpu.memory_space<vmem>>
    %dma_wait3A_154 = arith.constant 256 : i32
    %dma_wait3A_155 = tpu.memref_slice %arg5[%dma_wait3A_154] : memref<512xi32, #tpu.memory_space<vmem>> -> memref<64xi32, #tpu.memory_space<vmem>>
    %dma_wait3A_156 = arith.constant 0 : i32
    %dma_wait3A_157 = arith.constant 0 : i32
    %dma_wait3A_158 = tpu.memref_slice %arg7[%dma_wait3A_156, %dma_wait3A_157] : memref<1024x128xf32, #tpu.memory_space<vmem_shared>> -> memref<1024x128xf32, #tpu.memory_space<vmem_shared>>
    tpu.wait_indirect_dma semaphore(%arg13 : memref<!tpu.dma_semaphore, #tpu.memory_space<semaphore_mem>>) src(%dma_wait3A_158 : memref<1024x128xf32, #tpu.memory_space<vmem_shared>>) dst(%dma_wait3A_153 : memref<64x128xf32, #tpu.memory_space<vmem>>)
    %add3A_159 = arith.constant 256 : i32
    %add3A_160 = arith.addi %mul3A_2, %add3A_159 : i32
    %dma_start3A_161 = arith.constant 256 : i32
    %dma_start3A_162 = arith.constant 0 : i32
    %dma_start3A_163 = tpu.memref_slice %arg6[%dma_start3A_161, %dma_start3A_162] : memref<512x128xf32, #tpu.memory_space<vmem>> -> memref<64x128xf32, #tpu.memory_space<vmem>>
    %dma_start3A_164 = arith.constant 0 : i32
    %dma_start3A_165 = tpu.memref_slice %arg4[%add3A_160, %dma_start3A_164] : memref<16384x128xf32, #tpu.memory_space<hbm>> -> memref<64x128xf32, #tpu.memory_space<hbm>>
    %dma_start3A_166 = arith.constant 0 : i32
    %dma_start3A_167 = tpu.memref_slice %arg4[%add3A_160, %dma_start3A_166] : memref<16384x128xf32, #tpu.memory_space<hbm>> -> memref<64x128xf32, #tpu.memory_space<hbm>>
    %dma_start3A_168 = arith.constant 256 : i32
    %dma_start3A_169 = arith.constant 0 : i32
    %dma_start3A_170 = tpu.memref_slice %arg6[%dma_start3A_168, %dma_start3A_169] : memref<512x128xf32, #tpu.memory_space<vmem>> -> memref<64x128xf32, #tpu.memory_space<vmem>>
    tpu.enqueue_dma source(%dma_start3A_170 : memref<64x128xf32, #tpu.memory_space<vmem>>) target(%dma_start3A_167 : memref<64x128xf32, #tpu.memory_space<hbm>>) target_semaphore(%arg17 : memref<!tpu.dma_semaphore, #tpu.memory_space<semaphore_mem>>)
    %dma_wait3A_171 = arith.constant 320 : i32
    %dma_wait3A_172 = arith.constant 0 : i32
    %dma_wait3A_173 = tpu.memref_slice %arg6[%dma_wait3A_171, %dma_wait3A_172] : memref<512x128xf32, #tpu.memory_space<vmem>> -> memref<64x128xf32, #tpu.memory_space<vmem>>
    %dma_wait3A_174 = arith.constant 320 : i32
    %dma_wait3A_175 = tpu.memref_slice %arg5[%dma_wait3A_174] : memref<512xi32, #tpu.memory_space<vmem>> -> memref<64xi32, #tpu.memory_space<vmem>>
    %dma_wait3A_176 = arith.constant 0 : i32
    %dma_wait3A_177 = arith.constant 0 : i32
    %dma_wait3A_178 = tpu.memref_slice %arg7[%dma_wait3A_176, %dma_wait3A_177] : memref<1024x128xf32, #tpu.memory_space<vmem_shared>> -> memref<1024x128xf32, #tpu.memory_space<vmem_shared>>
    tpu.wait_indirect_dma semaphore(%arg14 : memref<!tpu.dma_semaphore, #tpu.memory_space<semaphore_mem>>) src(%dma_wait3A_178 : memref<1024x128xf32, #tpu.memory_space<vmem_shared>>) dst(%dma_wait3A_173 : memref<64x128xf32, #tpu.memory_space<vmem>>)
    %add3A_179 = arith.constant 320 : i32
    %add3A_180 = arith.addi %mul3A_2, %add3A_179 : i32
    %dma_start3A_181 = arith.constant 320 : i32
    %dma_start3A_182 = arith.constant 0 : i32
    %dma_start3A_183 = tpu.memref_slice %arg6[%dma_start3A_181, %dma_start3A_182] : memref<512x128xf32, #tpu.memory_space<vmem>> -> memref<64x128xf32, #tpu.memory_space<vmem>>
    %dma_start3A_184 = arith.constant 0 : i32
    %dma_start3A_185 = tpu.memref_slice %arg4[%add3A_180, %dma_start3A_184] : memref<16384x128xf32, #tpu.memory_space<hbm>> -> memref<64x128xf32, #tpu.memory_space<hbm>>
    %dma_start3A_186 = arith.constant 0 : i32
    %dma_start3A_187 = tpu.memref_slice %arg4[%add3A_180, %dma_start3A_186] : memref<16384x128xf32, #tpu.memory_space<hbm>> -> memref<64x128xf32, #tpu.memory_space<hbm>>
    %dma_start3A_188 = arith.constant 320 : i32
    %dma_start3A_189 = arith.constant 0 : i32
    %dma_start3A_190 = tpu.memref_slice %arg6[%dma_start3A_188, %dma_start3A_189] : memref<512x128xf32, #tpu.memory_space<vmem>> -> memref<64x128xf32, #tpu.memory_space<vmem>>
    tpu.enqueue_dma source(%dma_start3A_190 : memref<64x128xf32, #tpu.memory_space<vmem>>) target(%dma_start3A_187 : memref<64x128xf32, #tpu.memory_space<hbm>>) target_semaphore(%arg17 : memref<!tpu.dma_semaphore, #tpu.memory_space<semaphore_mem>>)
    %dma_wait3A_191 = arith.constant 384 : i32
    %dma_wait3A_192 = arith.constant 0 : i32
    %dma_wait3A_193 = tpu.memref_slice %arg6[%dma_wait3A_191, %dma_wait3A_192] : memref<512x128xf32, #tpu.memory_space<vmem>> -> memref<64x128xf32, #tpu.memory_space<vmem>>
    %dma_wait3A_194 = arith.constant 384 : i32
    %dma_wait3A_195 = tpu.memref_slice %arg5[%dma_wait3A_194] : memref<512xi32, #tpu.memory_space<vmem>> -> memref<64xi32, #tpu.memory_space<vmem>>
    %dma_wait3A_196 = arith.constant 0 : i32
    %dma_wait3A_197 = arith.constant 0 : i32
    %dma_wait3A_198 = tpu.memref_slice %arg7[%dma_wait3A_196, %dma_wait3A_197] : memref<1024x128xf32, #tpu.memory_space<vmem_shared>> -> memref<1024x128xf32, #tpu.memory_space<vmem_shared>>
    tpu.wait_indirect_dma semaphore(%arg15 : memref<!tpu.dma_semaphore, #tpu.memory_space<semaphore_mem>>) src(%dma_wait3A_198 : memref<1024x128xf32, #tpu.memory_space<vmem_shared>>) dst(%dma_wait3A_193 : memref<64x128xf32, #tpu.memory_space<vmem>>)
    %add3A_199 = arith.constant 384 : i32
    %add3A_200 = arith.addi %mul3A_2, %add3A_199 : i32
    %dma_start3A_201 = arith.constant 384 : i32
    %dma_start3A_202 = arith.constant 0 : i32
    %dma_start3A_203 = tpu.memref_slice %arg6[%dma_start3A_201, %dma_start3A_202] : memref<512x128xf32, #tpu.memory_space<vmem>> -> memref<64x128xf32, #tpu.memory_space<vmem>>
    %dma_start3A_204 = arith.constant 0 : i32
    %dma_start3A_205 = tpu.memref_slice %arg4[%add3A_200, %dma_start3A_204] : memref<16384x128xf32, #tpu.memory_space<hbm>> -> memref<64x128xf32, #tpu.memory_space<hbm>>
    %dma_start3A_206 = arith.constant 0 : i32
    %dma_start3A_207 = tpu.memref_slice %arg4[%add3A_200, %dma_start3A_206] : memref<16384x128xf32, #tpu.memory_space<hbm>> -> memref<64x128xf32, #tpu.memory_space<hbm>>
    %dma_start3A_208 = arith.constant 384 : i32
    %dma_start3A_209 = arith.constant 0 : i32
    %dma_start3A_210 = tpu.memref_slice %arg6[%dma_start3A_208, %dma_start3A_209] : memref<512x128xf32, #tpu.memory_space<vmem>> -> memref<64x128xf32, #tpu.memory_space<vmem>>
    tpu.enqueue_dma source(%dma_start3A_210 : memref<64x128xf32, #tpu.memory_space<vmem>>) target(%dma_start3A_207 : memref<64x128xf32, #tpu.memory_space<hbm>>) target_semaphore(%arg17 : memref<!tpu.dma_semaphore, #tpu.memory_space<semaphore_mem>>)
    %dma_wait3A_211 = arith.constant 448 : i32
    %dma_wait3A_212 = arith.constant 0 : i32
    %dma_wait3A_213 = tpu.memref_slice %arg6[%dma_wait3A_211, %dma_wait3A_212] : memref<512x128xf32, #tpu.memory_space<vmem>> -> memref<64x128xf32, #tpu.memory_space<vmem>>
    %dma_wait3A_214 = arith.constant 448 : i32
    %dma_wait3A_215 = tpu.memref_slice %arg5[%dma_wait3A_214] : memref<512xi32, #tpu.memory_space<vmem>> -> memref<64xi32, #tpu.memory_space<vmem>>
    %dma_wait3A_216 = arith.constant 0 : i32
    %dma_wait3A_217 = arith.constant 0 : i32
    %dma_wait3A_218 = tpu.memref_slice %arg7[%dma_wait3A_216, %dma_wait3A_217] : memref<1024x128xf32, #tpu.memory_space<vmem_shared>> -> memref<1024x128xf32, #tpu.memory_space<vmem_shared>>
    tpu.wait_indirect_dma semaphore(%arg16 : memref<!tpu.dma_semaphore, #tpu.memory_space<semaphore_mem>>) src(%dma_wait3A_218 : memref<1024x128xf32, #tpu.memory_space<vmem_shared>>) dst(%dma_wait3A_213 : memref<64x128xf32, #tpu.memory_space<vmem>>)
    %add3A_219 = arith.constant 448 : i32
    %add3A_220 = arith.addi %mul3A_2, %add3A_219 : i32
    %dma_start3A_221 = arith.constant 448 : i32
    %dma_start3A_222 = arith.constant 0 : i32
    %dma_start3A_223 = tpu.memref_slice %arg6[%dma_start3A_221, %dma_start3A_222] : memref<512x128xf32, #tpu.memory_space<vmem>> -> memref<64x128xf32, #tpu.memory_space<vmem>>
    %dma_start3A_224 = arith.constant 0 : i32
    %dma_start3A_225 = tpu.memref_slice %arg4[%add3A_220, %dma_start3A_224] : memref<16384x128xf32, #tpu.memory_space<hbm>> -> memref<64x128xf32, #tpu.memory_space<hbm>>
    %dma_start3A_226 = arith.constant 0 : i32
    %dma_start3A_227 = tpu.memref_slice %arg4[%add3A_220, %dma_start3A_226] : memref<16384x128xf32, #tpu.memory_space<hbm>> -> memref<64x128xf32, #tpu.memory_space<hbm>>
    %dma_start3A_228 = arith.constant 448 : i32
    %dma_start3A_229 = arith.constant 0 : i32
    %dma_start3A_230 = tpu.memref_slice %arg6[%dma_start3A_228, %dma_start3A_229] : memref<512x128xf32, #tpu.memory_space<vmem>> -> memref<64x128xf32, #tpu.memory_space<vmem>>
    tpu.enqueue_dma source(%dma_start3A_230 : memref<64x128xf32, #tpu.memory_space<vmem>>) target(%dma_start3A_227 : memref<64x128xf32, #tpu.memory_space<hbm>>) target_semaphore(%arg17 : memref<!tpu.dma_semaphore, #tpu.memory_space<semaphore_mem>>)
    %add3A_231 = arith.constant 0 : i32
    %add3A_232 = arith.addi %mul3A_2, %add3A_231 : i32
    %dma_wait3A_233 = arith.constant 0 : i32
    %dma_wait3A_234 = arith.constant 0 : i32
    %dma_wait3A_235 = tpu.memref_slice %arg6[%dma_wait3A_233, %dma_wait3A_234] : memref<512x128xf32, #tpu.memory_space<vmem>> -> memref<64x128xf32, #tpu.memory_space<vmem>>
    %dma_wait3A_236 = arith.constant 0 : i32
    %dma_wait3A_237 = tpu.memref_slice %arg4[%add3A_232, %dma_wait3A_236] : memref<16384x128xf32, #tpu.memory_space<hbm>> -> memref<64x128xf32, #tpu.memory_space<hbm>>
    %dma_wait3A_238 = arith.constant 0 : i32
    %dma_wait3A_239 = tpu.memref_slice %arg4[%add3A_232, %dma_wait3A_238] : memref<16384x128xf32, #tpu.memory_space<hbm>> -> memref<64x128xf32, #tpu.memory_space<hbm>>
    %dma_wait3A_240 = arith.constant 0 : i32
    %dma_wait3A_241 = arith.constant 0 : i32
    %dma_wait3A_242 = tpu.memref_slice %arg6[%dma_wait3A_240, %dma_wait3A_241] : memref<512x128xf32, #tpu.memory_space<vmem>> -> memref<64x128xf32, #tpu.memory_space<vmem>>
    tpu.wait_dma2 semaphore(%arg17 : memref<!tpu.dma_semaphore, #tpu.memory_space<semaphore_mem>>) src(%dma_wait3A_242 : memref<64x128xf32, #tpu.memory_space<vmem>>) dst(%dma_wait3A_239 : memref<64x128xf32, #tpu.memory_space<hbm>>)
    %add3A_243 = arith.constant 64 : i32
    %add3A_244 = arith.addi %mul3A_2, %add3A_243 : i32
    %dma_wait3A_245 = arith.constant 64 : i32
    %dma_wait3A_246 = arith.constant 0 : i32
    %dma_wait3A_247 = tpu.memref_slice %arg6[%dma_wait3A_245, %dma_wait3A_246] : memref<512x128xf32, #tpu.memory_space<vmem>> -> memref<64x128xf32, #tpu.memory_space<vmem>>
    %dma_wait3A_248 = arith.constant 0 : i32
    %dma_wait3A_249 = tpu.memref_slice %arg4[%add3A_244, %dma_wait3A_248] : memref<16384x128xf32, #tpu.memory_space<hbm>> -> memref<64x128xf32, #tpu.memory_space<hbm>>
    %dma_wait3A_250 = arith.constant 0 : i32
    %dma_wait3A_251 = tpu.memref_slice %arg4[%add3A_244, %dma_wait3A_250] : memref<16384x128xf32, #tpu.memory_space<hbm>> -> memref<64x128xf32, #tpu.memory_space<hbm>>
    %dma_wait3A_252 = arith.constant 64 : i32
    %dma_wait3A_253 = arith.constant 0 : i32
    %dma_wait3A_254 = tpu.memref_slice %arg6[%dma_wait3A_252, %dma_wait3A_253] : memref<512x128xf32, #tpu.memory_space<vmem>> -> memref<64x128xf32, #tpu.memory_space<vmem>>
    tpu.wait_dma2 semaphore(%arg17 : memref<!tpu.dma_semaphore, #tpu.memory_space<semaphore_mem>>) src(%dma_wait3A_254 : memref<64x128xf32, #tpu.memory_space<vmem>>) dst(%dma_wait3A_251 : memref<64x128xf32, #tpu.memory_space<hbm>>)
    %add3A_255 = arith.constant 128 : i32
    %add3A_256 = arith.addi %mul3A_2, %add3A_255 : i32
    %dma_wait3A_257 = arith.constant 128 : i32
    %dma_wait3A_258 = arith.constant 0 : i32
    %dma_wait3A_259 = tpu.memref_slice %arg6[%dma_wait3A_257, %dma_wait3A_258] : memref<512x128xf32, #tpu.memory_space<vmem>> -> memref<64x128xf32, #tpu.memory_space<vmem>>
    %dma_wait3A_260 = arith.constant 0 : i32
    %dma_wait3A_261 = tpu.memref_slice %arg4[%add3A_256, %dma_wait3A_260] : memref<16384x128xf32, #tpu.memory_space<hbm>> -> memref<64x128xf32, #tpu.memory_space<hbm>>
    %dma_wait3A_262 = arith.constant 0 : i32
    %dma_wait3A_263 = tpu.memref_slice %arg4[%add3A_256, %dma_wait3A_262] : memref<16384x128xf32, #tpu.memory_space<hbm>> -> memref<64x128xf32, #tpu.memory_space<hbm>>
    %dma_wait3A_264 = arith.constant 128 : i32
    %dma_wait3A_265 = arith.constant 0 : i32
    %dma_wait3A_266 = tpu.memref_slice %arg6[%dma_wait3A_264, %dma_wait3A_265] : memref<512x128xf32, #tpu.memory_space<vmem>> -> memref<64x128xf32, #tpu.memory_space<vmem>>
    tpu.wait_dma2 semaphore(%arg17 : memref<!tpu.dma_semaphore, #tpu.memory_space<semaphore_mem>>) src(%dma_wait3A_266 : memref<64x128xf32, #tpu.memory_space<vmem>>) dst(%dma_wait3A_263 : memref<64x128xf32, #tpu.memory_space<hbm>>)
    %add3A_267 = arith.constant 192 : i32
    %add3A_268 = arith.addi %mul3A_2, %add3A_267 : i32
    %dma_wait3A_269 = arith.constant 192 : i32
    %dma_wait3A_270 = arith.constant 0 : i32
    %dma_wait3A_271 = tpu.memref_slice %arg6[%dma_wait3A_269, %dma_wait3A_270] : memref<512x128xf32, #tpu.memory_space<vmem>> -> memref<64x128xf32, #tpu.memory_space<vmem>>
    %dma_wait3A_272 = arith.constant 0 : i32
    %dma_wait3A_273 = tpu.memref_slice %arg4[%add3A_268, %dma_wait3A_272] : memref<16384x128xf32, #tpu.memory_space<hbm>> -> memref<64x128xf32, #tpu.memory_space<hbm>>
    %dma_wait3A_274 = arith.constant 0 : i32
    %dma_wait3A_275 = tpu.memref_slice %arg4[%add3A_268, %dma_wait3A_274] : memref<16384x128xf32, #tpu.memory_space<hbm>> -> memref<64x128xf32, #tpu.memory_space<hbm>>
    %dma_wait3A_276 = arith.constant 192 : i32
    %dma_wait3A_277 = arith.constant 0 : i32
    %dma_wait3A_278 = tpu.memref_slice %arg6[%dma_wait3A_276, %dma_wait3A_277] : memref<512x128xf32, #tpu.memory_space<vmem>> -> memref<64x128xf32, #tpu.memory_space<vmem>>
    tpu.wait_dma2 semaphore(%arg17 : memref<!tpu.dma_semaphore, #tpu.memory_space<semaphore_mem>>) src(%dma_wait3A_278 : memref<64x128xf32, #tpu.memory_space<vmem>>) dst(%dma_wait3A_275 : memref<64x128xf32, #tpu.memory_space<hbm>>)
    %add3A_279 = arith.constant 256 : i32
    %add3A_280 = arith.addi %mul3A_2, %add3A_279 : i32
    %dma_wait3A_281 = arith.constant 256 : i32
    %dma_wait3A_282 = arith.constant 0 : i32
    %dma_wait3A_283 = tpu.memref_slice %arg6[%dma_wait3A_281, %dma_wait3A_282] : memref<512x128xf32, #tpu.memory_space<vmem>> -> memref<64x128xf32, #tpu.memory_space<vmem>>
    %dma_wait3A_284 = arith.constant 0 : i32
    %dma_wait3A_285 = tpu.memref_slice %arg4[%add3A_280, %dma_wait3A_284] : memref<16384x128xf32, #tpu.memory_space<hbm>> -> memref<64x128xf32, #tpu.memory_space<hbm>>
    %dma_wait3A_286 = arith.constant 0 : i32
    %dma_wait3A_287 = tpu.memref_slice %arg4[%add3A_280, %dma_wait3A_286] : memref<16384x128xf32, #tpu.memory_space<hbm>> -> memref<64x128xf32, #tpu.memory_space<hbm>>
    %dma_wait3A_288 = arith.constant 256 : i32
    %dma_wait3A_289 = arith.constant 0 : i32
    %dma_wait3A_290 = tpu.memref_slice %arg6[%dma_wait3A_288, %dma_wait3A_289] : memref<512x128xf32, #tpu.memory_space<vmem>> -> memref<64x128xf32, #tpu.memory_space<vmem>>
    tpu.wait_dma2 semaphore(%arg17 : memref<!tpu.dma_semaphore, #tpu.memory_space<semaphore_mem>>) src(%dma_wait3A_290 : memref<64x128xf32, #tpu.memory_space<vmem>>) dst(%dma_wait3A_287 : memref<64x128xf32, #tpu.memory_space<hbm>>)
    %add3A_291 = arith.constant 320 : i32
    %add3A_292 = arith.addi %mul3A_2, %add3A_291 : i32
    %dma_wait3A_293 = arith.constant 320 : i32
    %dma_wait3A_294 = arith.constant 0 : i32
    %dma_wait3A_295 = tpu.memref_slice %arg6[%dma_wait3A_293, %dma_wait3A_294] : memref<512x128xf32, #tpu.memory_space<vmem>> -> memref<64x128xf32, #tpu.memory_space<vmem>>
    %dma_wait3A_296 = arith.constant 0 : i32
    %dma_wait3A_297 = tpu.memref_slice %arg4[%add3A_292, %dma_wait3A_296] : memref<16384x128xf32, #tpu.memory_space<hbm>> -> memref<64x128xf32, #tpu.memory_space<hbm>>
    %dma_wait3A_298 = arith.constant 0 : i32
    %dma_wait3A_299 = tpu.memref_slice %arg4[%add3A_292, %dma_wait3A_298] : memref<16384x128xf32, #tpu.memory_space<hbm>> -> memref<64x128xf32, #tpu.memory_space<hbm>>
    %dma_wait3A_300 = arith.constant 320 : i32
    %dma_wait3A_301 = arith.constant 0 : i32
    %dma_wait3A_302 = tpu.memref_slice %arg6[%dma_wait3A_300, %dma_wait3A_301] : memref<512x128xf32, #tpu.memory_space<vmem>> -> memref<64x128xf32, #tpu.memory_space<vmem>>
    tpu.wait_dma2 semaphore(%arg17 : memref<!tpu.dma_semaphore, #tpu.memory_space<semaphore_mem>>) src(%dma_wait3A_302 : memref<64x128xf32, #tpu.memory_space<vmem>>) dst(%dma_wait3A_299 : memref<64x128xf32, #tpu.memory_space<hbm>>)
    %add3A_303 = arith.constant 384 : i32
    %add3A_304 = arith.addi %mul3A_2, %add3A_303 : i32
    %dma_wait3A_305 = arith.constant 384 : i32
    %dma_wait3A_306 = arith.constant 0 : i32
    %dma_wait3A_307 = tpu.memref_slice %arg6[%dma_wait3A_305, %dma_wait3A_306] : memref<512x128xf32, #tpu.memory_space<vmem>> -> memref<64x128xf32, #tpu.memory_space<vmem>>
    %dma_wait3A_308 = arith.constant 0 : i32
    %dma_wait3A_309 = tpu.memref_slice %arg4[%add3A_304, %dma_wait3A_308] : memref<16384x128xf32, #tpu.memory_space<hbm>> -> memref<64x128xf32, #tpu.memory_space<hbm>>
    %dma_wait3A_310 = arith.constant 0 : i32
    %dma_wait3A_311 = tpu.memref_slice %arg4[%add3A_304, %dma_wait3A_310] : memref<16384x128xf32, #tpu.memory_space<hbm>> -> memref<64x128xf32, #tpu.memory_space<hbm>>
    %dma_wait3A_312 = arith.constant 384 : i32
    %dma_wait3A_313 = arith.constant 0 : i32
    %dma_wait3A_314 = tpu.memref_slice %arg6[%dma_wait3A_312, %dma_wait3A_313] : memref<512x128xf32, #tpu.memory_space<vmem>> -> memref<64x128xf32, #tpu.memory_space<vmem>>
    tpu.wait_dma2 semaphore(%arg17 : memref<!tpu.dma_semaphore, #tpu.memory_space<semaphore_mem>>) src(%dma_wait3A_314 : memref<64x128xf32, #tpu.memory_space<vmem>>) dst(%dma_wait3A_311 : memref<64x128xf32, #tpu.memory_space<hbm>>)
    %add3A_315 = arith.constant 448 : i32
    %add3A_316 = arith.addi %mul3A_2, %add3A_315 : i32
    %dma_wait3A_317 = arith.constant 448 : i32
    %dma_wait3A_318 = arith.constant 0 : i32
    %dma_wait3A_319 = tpu.memref_slice %arg6[%dma_wait3A_317, %dma_wait3A_318] : memref<512x128xf32, #tpu.memory_space<vmem>> -> memref<64x128xf32, #tpu.memory_space<vmem>>
    %dma_wait3A_320 = arith.constant 0 : i32
    %dma_wait3A_321 = tpu.memref_slice %arg4[%add3A_316, %dma_wait3A_320] : memref<16384x128xf32, #tpu.memory_space<hbm>> -> memref<64x128xf32, #tpu.memory_space<hbm>>
    %dma_wait3A_322 = arith.constant 0 : i32
    %dma_wait3A_323 = tpu.memref_slice %arg4[%add3A_316, %dma_wait3A_322] : memref<16384x128xf32, #tpu.memory_space<hbm>> -> memref<64x128xf32, #tpu.memory_space<hbm>>
    %dma_wait3A_324 = arith.constant 448 : i32
    %dma_wait3A_325 = arith.constant 0 : i32
    %dma_wait3A_326 = tpu.memref_slice %arg6[%dma_wait3A_324, %dma_wait3A_325] : memref<512x128xf32, #tpu.memory_space<vmem>> -> memref<64x128xf32, #tpu.memory_space<vmem>>
    tpu.wait_dma2 semaphore(%arg17 : memref<!tpu.dma_semaphore, #tpu.memory_space<semaphore_mem>>) src(%dma_wait3A_326 : memref<64x128xf32, #tpu.memory_space<vmem>>) dst(%dma_wait3A_323 : memref<64x128xf32, #tpu.memory_space<hbm>>)
    return
  }
}

module attributes {stable_mosaic.version = 14 : i64} {
  func.func @_mlp_body(%arg0: memref<1000x128xf32, #tpu.memory_space<vmem>>, %arg1: memref<128x128xf32, #tpu.memory_space<vmem>>, %arg2: memref<1x128xf32, #tpu.memory_space<vmem>>, %arg3: memref<128x128xf32, #tpu.memory_space<vmem>>, %arg4: memref<1x128xf32, #tpu.memory_space<vmem>>, %arg5: memref<1024x128xf32, #tpu.memory_space<vmem>>) attributes {dimension_semantics = [], scalar_prefetch = 0 : i64, scratch_operands = 0 : i64, tpu.core_type = #tpu.core_type<tc>} {
    %get3A = arith.constant 0 : index
    %get3A_0 = arith.constant 0 : index
    %get3A_1 = vector.load %arg0[%get3A, %get3A_0] : memref<1000x128xf32, #tpu.memory_space<vmem>>, vector<1000x128xf32>
    %get3A_2 = arith.constant 0 : index
    %get3A_3 = arith.constant 0 : index
    %get3A_4 = vector.load %arg1[%get3A_2, %get3A_3] : memref<128x128xf32, #tpu.memory_space<vmem>>, vector<128x128xf32>
    %dot_general3A = arith.constant dense<0.000000e+00> : vector<1000x128xf32>
    %dot_general3A_5 = tpu.matmul %get3A_1, %get3A_4, %dot_general3A {dimension_numbers = #tpu.dot_dimension_numbers<[1], [0], [0], [1], [0, 0, 1, 1], [], []>, transpose_lhs_hint = false} : vector<1000x128xf32>, vector<128x128xf32>, vector<1000x128xf32> -> vector<1000x128xf32>
    %get3A_6 = arith.constant 0 : index
    %get3A_7 = arith.constant 0 : index
    %get3A_8 = vector.load %arg2[%get3A_6, %get3A_7] : memref<1x128xf32, #tpu.memory_space<vmem>>, vector<1x128xf32>
    %add3A = vector.broadcast %get3A_8 : vector<1x128xf32> to vector<1000x128xf32>
    %add3A_9 = arith.addf %dot_general3A_5, %add3A : vector<1000x128xf32>
    %logistic3A = arith.negf %add3A_9 : vector<1000x128xf32>
    %logistic3A_10 = math.exp %logistic3A : vector<1000x128xf32>
    %logistic3A_11 = arith.constant 1.000000e+00 : f32
    %logistic3A_12 = vector.broadcast %logistic3A_11 : f32 to vector<1000x128xf32>
    %logistic3A_13 = arith.addf %logistic3A_12, %logistic3A_10 : vector<1000x128xf32>
    %logistic3A_14 = arith.divf %logistic3A_12, %logistic3A_13 : vector<1000x128xf32>
    %mul3A = arith.mulf %add3A_9, %logistic3A_14 : vector<1000x128xf32>
    %get3A_15 = arith.constant 0 : index
    %get3A_16 = arith.constant 0 : index
    %get3A_17 = vector.load %arg3[%get3A_15, %get3A_16] : memref<128x128xf32, #tpu.memory_space<vmem>>, vector<128x128xf32>
    %dot_general3A_18 = arith.constant dense<0.000000e+00> : vector<1000x128xf32>
    %dot_general3A_19 = tpu.matmul %mul3A, %get3A_17, %dot_general3A_18 {dimension_numbers = #tpu.dot_dimension_numbers<[1], [0], [0], [1], [0, 0, 1, 1], [], []>, transpose_lhs_hint = false} : vector<1000x128xf32>, vector<128x128xf32>, vector<1000x128xf32> -> vector<1000x128xf32>
    %get3A_20 = arith.constant 0 : index
    %get3A_21 = arith.constant 0 : index
    %get3A_22 = vector.load %arg4[%get3A_20, %get3A_21] : memref<1x128xf32, #tpu.memory_space<vmem>>, vector<1x128xf32>
    %add3A_23 = vector.broadcast %get3A_22 : vector<1x128xf32> to vector<1000x128xf32>
    %add3A_24 = arith.addf %dot_general3A_19, %add3A_23 : vector<1000x128xf32>
    %swap3A = arith.constant 0 : index
    %swap3A_25 = arith.constant 0 : index
    %swap3A_26 = vector.load %arg5[%swap3A, %swap3A_25] : memref<1024x128xf32, #tpu.memory_space<vmem>>, vector<1000x128xf32>
    tpu.vector_store %arg5[%swap3A, %swap3A_25], %add3A_24 {strides = array<i32>} : memref<1024x128xf32, #tpu.memory_space<vmem>>, vector<1000x128xf32>,
    %broadcast_in_dim3A = arith.constant 0.000000e+00 : f32
    %broadcast_in_dim3A_27 = vector.broadcast %broadcast_in_dim3A : f32 to vector<24x128xf32>
    %swap3A_28 = arith.constant 1000 : index
    %swap3A_29 = arith.constant 0 : index
    %swap3A_30 = vector.load %arg5[%swap3A_28, %swap3A_29] : memref<1024x128xf32, #tpu.memory_space<vmem>>, vector<24x128xf32>
    tpu.vector_store %arg5[%swap3A_28, %swap3A_29], %broadcast_in_dim3A_27 {strides = array<i32>} : memref<1024x128xf32, #tpu.memory_space<vmem>>, vector<24x128xf32>,
    return
  }
}

</mosaic_0001>

<sc_bundles>
// kernel: kernel.4.cloned.1.call-start
scs
__scs_entry_jumppad:
0x0: {  	(pc) =	sbr.rel $0x88, $3  }
0x1: {  	(tag) =	ssettag $0x0;
	lr =	simm.s32 $0x1  }
0x2: {  	[smem:$0x3F9B] =	sst lr;
	_ =	strace $0xD0000000  }
0x3: {  	_ = 	snop  }
0x4: {  	_ = 	snop  }
0x5: {  	_ = 	snop  }
0x6: {  	_ = 	snop  }
0x7: {  	_ = 	snop  }
__scs_overlays_trampoline_lowered:
0x8: {  	[smem:$0x3FAA] =	sst s0  }
0x9: {  	[smem:$0x3FAB] =	sst s1  }
0xa: {  	[smem:$0x3FAC] =	sst s2  }
0xb: {  	[smem:$0x3FAD] =	sst s3  }
0xc: {  	[smem:$0x3FAE] =	sst s4  }
0xd: {  	[smem:$0x3FAF] =	sst s5  }
0xe: {  	[smem:$0x3FB0] =	sst s6  }
0xf: {  	[smem:$0x3FB1] =	sst s7  }
0x10: {  	[smem:$0x3FB2] =	sst s8  }
0x11: {  	[smem:$0x3FB3] =	sst s9;
	s0 =	simm.s32 @!p0 $0x0  }
0x12: {  	s1 =	sld [smem:$0x3F99];
	s0 =	simm.s32 @p0 $0x1  }
0x13: {  	[smem:$0x3FB4] =	sst s0;
	s0 =	simm.s32 @!p1 $0x0  }
0x14: {  	s2 =	sld [smem:$0x3F98];
	s0 =	simm.s32 @p1 $0x1  }
0x15: {  	[smem:$0x3FB5] =	sst s0;
	s0 =	simm.s32 @!p2 $0x0  }
0x16: {  	s3 =	sld [smem:$0x3FDB];
	s0 =	simm.s32 @p2 $0x1  }
0x17: {  	s4 =	simm.s32 $0x1BF5;
	[smem:$0x3FB7] =	sst s0  }
0x18: {  	s0 =	sld [smem:$0x3F9A];
	_ =	swait.ge [sflag:s4], $0x0  }
0x19: {  	s7 =	sld [smem:$0x3F9B]  }
0x1a: {  	s8 =	sadd.s32 $0xFFFFE003, lr  }
0x1b: {  	s9 =	sadd.s32 $0xFFFFFEF7, lr;
	s5 =	simm.s32 $0xFFFFFFFF;
	p2 =	slt.u32 s8, $0xFFFFF086  }
0x1c: {  	p1 =	slt.u32 s9, $0xF7A;
	s5 =	simm.s32 @!p2 $0x0  }
0x1d: {  	s5 =	simm.s32 @p1 $0x1;
	p0 =	seq.s32 s7, s2  }
0x1e: {  	s7 =	smul.u32 @!p0 $0xF7A, s2;
	p2 =	seq.s32 @!p0 s5, $0x0  }
0x1f: {  	s9 =	smul.u32 $0xF7A, s1;
	s8 =	simm.s32 @!p0 $0x1BF5;
	p2 =	por !p2, p0  }
0x20: {  	[sflag:s8] =	ssyncset.s32 @!p0 $0xFFFFF086;
	s6 =	sadd.s32 @!p0 s3, s7;
	s7 =	simm.s32 @!p0 $0x108  }
0x21: {  	s3 =	sadd.s32 s3, s9;
	s6 =	sadd.s32 @!p0 $0x88, s6;
	s7 =	simm.s32 @p2 $0x1082  }
0x22: {  	[simem:s7], [sflag:s8] =	dma.local @!p0 [hbm:s6], $0xF7A  }
0x23: {  	s9 =	sor.u32 $0xD0000000, s2;
	s6 =	simm.s32 $0x108;
	_ =	swait.ge @!p0 [sflag:s8], $0x0  }
0x24: {  	s3 =	sadd.s32 $0x88, s3;
	s6 =	simm.s32 @!p1 $0x1082;
	[sflag:s4] =	ssyncset.s32 $0xFFFFF086  }
0x25: {  	[simem:s6], [sflag:s4] =	dma.local [hbm:s3], $0xF7A  }
0x26: {  	[smem:$0x3F9B] =	sst s1;
	(tag) =	ssettag s2;
	_ =	strace s9  }
0x27: {  	s1 =	sld [smem:$0x3FAB]  }
0x28: {  	s2 =	sld [smem:$0x3FAC]  }
0x29: {  	s4 =	sld [smem:$0x3FAE]  }
0x2a: {  	p0 =	seq.s32 s5, $0x0;
	s5 =	sld [smem:$0x3FAF]  }
0x2b: {  	s6 =	sld [smem:$0x3FB0]  }
0x2c: {  	s7 =	sld [smem:$0x3FB1]  }
0x2d: {  	s3 =	simm.s32 $0x108;
	s8 =	sld [smem:$0x3FB2]  }
0x2e: {  	s3 =	simm.s32 @!p0 $0x1082;
	s9 =	sld [smem:$0x3FB3]  }
0x2f: {  	lr =	sadd.s32 s0, s3;
	s0 =	sld [smem:$0x3FAA]  }
0x30: {  	s3 =	sld [smem:$0x3FAD]  }
0x31: {  	[smem:$0x3FB6] =	sst s10  }
0x32: {  	s10 =	sld [smem:$0x3FB4];
	_ =	sdelay $0x3  }
0x33: {  	p0 =	seq.s32 s10, $0x1;
	s10 =	sld [smem:$0x3FB6];
	_ =	sdelay $0x3  }
0x34: {  	[smem:$0x3FB6] =	sst s10  }
0x35: {  	s10 =	sld [smem:$0x3FB5];
	_ =	sdelay $0x3  }
0x36: {  	p1 =	seq.s32 s10, $0x1;
	s10 =	sld [smem:$0x3FB6];
	_ =	sdelay $0x3  }
0x37: {  	[smem:$0x3FB6] =	sst s10  }
0x38: {  	s10 =	sld [smem:$0x3FB7]  }
0x39: {  	_ = 	snop;
	(pc) =	sbr.ind lr, $3  }
0x3a: {  	_ = 	snop  }
0x3b: {  	_ = 	snop  }
0x3c: {  	p2 =	seq.s32 s10, $0x1;
	s10 =	sld [smem:$0x3FB6]  }
0x3d: {  	_ =	shalt  }
0x3e: {  	_ =	shalt  }
0x3f: {  	_ =	shalt  }
0x40: {  	_ =	shalt  }
0x41: {  	_ =	shalt  }
0x42: {  	_ =	shalt  }
0x43: {  	_ =	shalt  }
0x44: {  	_ =	shalt  }
0x45: {  	_ =	shalt  }
0x46: {  	_ =	shalt  }
0x47: {  	_ =	shalt  }
0x48: {  	_ =	shalt  }
0x49: {  	_ =	shalt  }
0x4a: {  	_ =	shalt  }
0x4b: {  	_ =	shalt  }
0x4c: {  	_ =	shalt  }
0x4d: {  	_ =	shalt  }
0x4e: {  	_ =	shalt  }
0x4f: {  	_ =	shalt  }
0x50: {  	_ =	shalt  }
0x51: {  	_ =	shalt  }
0x52: {  	_ =	shalt  }
0x53: {  	_ =	shalt  }
0x54: {  	_ =	shalt  }
0x55: {  	_ =	shalt  }
0x56: {  	_ =	shalt  }
0x57: {  	_ =	shalt  }
0x58: {  	_ =	shalt  }
0x59: {  	_ =	shalt  }
0x5a: {  	_ =	shalt  }
0x5b: {  	_ =	shalt  }
0x5c: {  	_ =	shalt  }
0x5d: {  	_ =	shalt  }
0x5e: {  	_ =	shalt  }
0x5f: {  	_ =	shalt  }
0x60: {  	_ =	shalt  }
0x61: {  	_ =	shalt  }
0x62: {  	_ =	shalt  }
0x63: {  	_ =	shalt  }
0x64: {  	_ =	shalt  }
0x65: {  	_ =	shalt  }
0x66: {  	_ =	shalt  }
0x67: {  	_ =	shalt  }
0x68: {  	_ =	shalt  }
0x69: {  	_ =	shalt  }
0x6a: {  	_ =	shalt  }
0x6b: {  	_ =	shalt  }
0x6c: {  	_ =	shalt  }
0x6d: {  	_ =	shalt  }
0x6e: {  	_ =	shalt  }
0x6f: {  	_ =	shalt  }
0x70: {  	_ =	shalt  }
0x71: {  	_ =	shalt  }
0x72: {  	_ =	shalt  }
0x73: {  	_ =	shalt  }
0x74: {  	_ =	shalt  }
0x75: {  	_ =	shalt  }
0x76: {  	_ =	shalt  }
0x77: {  	_ =	shalt  }
0x78: {  	_ =	shalt  }
0x79: {  	_ =	shalt  }
0x7a: {  	_ =	shalt  }
0x7b: {  	_ =	shalt  }
0x7c: {  	_ =	shalt  }
0x7d: {  	_ =	shalt  }
0x7e: {  	_ =	shalt  }
0x7f: {  	_ =	shalt  }
0x80: {  	_ =	shalt  }
0x81: {  	_ =	shalt  }
0x82: {  	_ =	shalt  }
0x83: {  	_ =	shalt  }
0x84: {  	_ =	shalt  }
0x85: {  	_ =	shalt  }
0x86: {  	_ =	shalt  }
0x87: {  	_ =	shalt  }
.Lfunc_end0:
.L_simem_size_0:
called_computation_lowered:
.L_overlay_start_0:
0x88: {  	s2 =	sld [smem:$0x3FD9]  }
0x89: {  	s3 =	sld [smem:$0x3FFE];
	_ =	sdelay $0x1  }
0x8a: {  	s1 =	srdreg.scid  }
0x8b: {  	s0 =	sand.u32 $0x1, s1  }
0x8c: {  	s17 =	sshll.u32 s0, $0xA;
	s2 =	sadd.s32 s3, s2  }
0x8d: {  	s2 =	sadd.s32 s2, s17  }
0x8e: {  	[smem:$0x3FC2] =	sst s2  }
0x8f: {  	_ = 	snop  }
0x90: {  	s2 =	sld [smem:$0x3FC9]  }
0x91: {  	s18 =	sld [smem:$0x3FD0];
	(tm) =	ssettm $0x1  }
0x92: {  	s4 =	sld [smem:$0x3FFB];
	_ =	sdelay $0x3  }
0x93: {  	_ =	strace s4  }
0x94: {  	s4 =	sld [smem:$0x3FFC];
	_ =	sdelay $0x3  }
0x95: {  	_ =	strace s4  }
0x96: {  	s4 =	sld [smem:$0x3FFD];
	_ =	sdelay $0x3  }
0x97: {  	_ =	strace s4  }
0x98: {  	_ =	strace $0x8FFFFFFF  }
0x99: {  	s19 =	sld [smem:$0x3FDB];
	_ =	sdelay $0x1  }
0x9a: {  	s5 =	simm.s32 $_scs_section_size  }
0x9b: {  	s6 =	simm.s32 $_size__tile_overlayer_lowered;
	s7 =	simm.s32 $_tile_overlayer_lowered  }
0x9c: {  	s22 =	simm.s32 $0x1BFF;
	s21 =	sshll.u32 s7, $0x1;
	s4 =	sadd.s32 s5, s19  }
0x9d: {  	s8 =	simm.s32 $0x0;
	s20 =	sshll.u32 s6, $0x1;
	s6 =	sadd.s32 s21, s4  }
0x9e: {  	[timem:s8], [sflag:s22] =	dma.local [hbm:s6], s20  }
0x9f: {  	_ =	swait.ge [sflag:s22], s20  }
0xa0: {  	s5 =	ssub.s32 $0x0, s20;
	[sflag:s22] =	ssyncset.done $0x0  }
0xa1: {  	[sflag:s22] =	ssyncadd.s32 s5;
	_ =	sdelay $0x1  }
0xa2: {  	s23 =	simm.s32 $0x1B8B  }
0xa3: {  	_ =	swait.ge [sflag:s23], $0x1  }
0xa4: {  	[sflag:s23] =	ssyncset.done $0x0  }
0xa5: {  	s25 =	simm.s32 $0x1B8E;
	s24 =	sld [smem:$0x3FFE];
	[sflag:s23] =	ssyncadd.s32 $0xFFFFFFFF  }
0xa6: {  	s26 =	simm.s32 $execute0_lowered;
	[smem:$0x3FD2] =	sst s25  }
0xa7: {  	s6 =	sshll.u32 s26, $0x1;
	_ =	strace $0x80000046;
	[dreg:$0x1] =	wrdreg $0xFFFFFFFF  }
0xa8: {  	s28 =	simm.s32 $_size_execute0_lowered;
	s4 =	sadd.s32 s4, s6;
	[dreg:$0x0] =	wrdreg $0x0  }
0xa9: {  	s6 =	sshll.u32 s28, $0x1;
	[dreg:$0x2] =	wrdreg s4  }
0xaa: {  	[dreg:$0x3] =	wrdreg s6  }
0xab: {  	[dreg:$0x4] =	wrdreg $0xC0  }
0xac: {  	_ =	task [dreg:s8], $0x5FFFF  }
0xad: {  	[dreg:$0x1] =	wrdreg $0xFFFFFFFF  }
0xae: {  	[dreg:$0x0] =	wrdreg $0x60  }
0xaf: {  	[dreg:$0x2] =	wrdreg s24  }
0xb0: {  	[dreg:$0x3] =	wrdreg s2  }
0xb1: {  	[dreg:$0x4] =	wrdreg s18  }
0xb2: {  	[dreg:$0x5] =	wrdreg $0x102000  }
0xb3: {  	[dreg:$0x6] =	wrdreg $0x9  }
0xb4: {  	_ =	task.clear_ibuf [dreg:s8], $0x7FFFF;
	_ =	strace $0x90000046  }
0xb5: {  	s29 =	simm.s32 $0x9;
	_ =	strace $0x80000048  }
0xb6: {  	_ =	swait.ge [sflag:s29], $0x1  }
0xb7: {  	[sflag:s29] =	ssyncadd.s32 $0xFFFFFFFF  }
0xb8: {  	_ =	strace $0x90000048  }
0xb9: {  	_ =	sfence  }
0xba: {  	s30 =	sld [smem:$0x0];
	_ =	sdelay $0x2  }
0xbb: {  	s31 =	sshll.u32 s1, $0xD;
	s1 =	sshrl.u32 s1, $0x2  }
0xbc: {  	s3 =	sand.u32 $0x4000, s31;
	s1 =	sadd.s32 s1, s30  }
0xbd: {  	s0 =	sor.u32 s3, s0;
	s1 =	sshll.u32 s1, $0x11  }
0xbe: {  	s0 =	sor.u32 s1, s0  }
0xbf: {  	s0 =	sadd.s32 $0x8F2B, s0  }
0xc0: {  	[sflag:s0] =	ssyncadd.remote.s32 $0x1  }
0xc1: {  	_ =	sfence.sel $0xFFFF  }
0xc2: {  	[dreg:$0x0] =	wrdreg $0xFFFFFFFF;
	(pc) =	sbr.abs _section_cstart, $3  }
0xc3: {  	[dreg:$0x1] =	wrdreg $0xFFFFFFFF  }
0xc4: {  	_ =	task.clear_ibuf [dreg:s8], $0x2FFFF;
	_ =	strace $0x9FFFFFFF  }
0xc5: {  	(tm) =	ssettm $0x7FFFFFFF  }
tec
execute0_lowered:
.L_overlay_start_1:
0x0: {  	(tag) =	ssettag $0x1  }
0x1: {  	s4 =	rddreg [dreg:$0x0]  }
0x2: {  	s5 =	rddreg [dreg:$0x1]  }
0x3: {  	s1 =	srdreg.scid;
	s6 =	rddreg [dreg:$0x2]  }
0x4: {  	s0 =	stileid.u32;
	s2 =	rddreg [dreg:$0x3]  }
0x5: {  	s3 =	simm.s32 $0x0;
	s1 =	sand.u32 $0x1, s1;
	s7 =	sshll.u32 s0, $0xA  }
0x6: {  	[smem:$0x7FF] =	sst s3;
	s8 =	sshll.u32 s1, $0x9;
	s4 =	sadd.s32 s7, s4  }
0x7: {  	s11 =	sshll.u32 s0, $0x6;
	s8 =	sor.u32 s8, s7;
	s4 =	sadd.s32 $0x1000, s4  }
0x8: {  	_ =	strace $0x80000047;
	s9 =	sshrl.u32 s8, $0x3;
	[dreg:$0x6] =	wrdreg s4  }
0x9: {  	s12 =	sshll.u32 s8, $0x4;
	s5 =	sadd.s32 s5, s9;
	s22 =	rddreg [dreg:$0x6]  }
0xa: {  	s4 =	sadd.s32 s6, s12;
	[dreg:$0x5] =	wrdreg s5;
	s5 =	sor.u32 $0x1C0B, s11  }
0xb: {  	s13 =	sadd.s32 $0x400, s4;
	[dreg:$0x7] =	wrdreg s5  }
0xc: {  	s14 =	sadd.s32 $0x800, s4;
	[dreg:$0x8] =	wrdreg s13  }
0xd: {  	s15 =	sadd.s32 $0xC00, s4;
	[dreg:$0x9] =	wrdreg s14  }
0xe: {  	s16 =	sadd.s32 $0x1000, s4;
	[dreg:$0xa] =	wrdreg s15  }
0xf: {  	s17 =	sshll.u32 s0, $0xD;
	s18 =	sadd.s32 $0x1400, s4;
	[dreg:$0xb] =	wrdreg s16  }
0x10: {  	s6 =	sadd.s32 s17, s2;
	s19 =	sadd.s32 $0x1800, s4;
	[dreg:$0xc] =	wrdreg s18  }
0x11: {  	s20 =	sshrl.u32 s6, $0x3;
	[dreg:$0xd] =	wrdreg s19  }
0x12: {  	[dreg:$0xf] =	wrdreg s20  }
0x13: {  	s24 =	sadd.s32 $0x1C00, s4;
	s23 =	rddreg [dreg:$0x5]  }
0x14: {  	[dreg:$0xe] =	wrdreg s24  }
0x15: {  	s21 =	rddreg [dreg:$0x7]  }
0x16: {  	s5 =	simm.s32 $0xB;
	s25 =	rddreg [dreg:$0xf]  }
0x17: {  	[tilespmem:s3], [sflag:$0x1] =	stream.linear.gather [hbm4b:s23+s3], $0x200, $0x38;
	[tilespmem:$0x12200] =	vst v63  }
0x18: {  	[spmem:s25], [sflag:s21] =	dma.local [hbm:s22], $0x400  }
0x19: {  	_ =	swait.ge [sflag:s5], $0x400  }
0x1a: {  	[sflag:s5] =	ssyncset.done $0x0  }
0x1b: {  	s6 =	simm.s32 $0x1;
	[sflag:s5] =	ssyncadd.s32 $0xFFFFFC00  }
0x1c: {  	_ =	swait.ge [sflag:s6], $0x200  }
0x1d: {  	[sflag:s6] =	ssyncset.done $0x0  }
0x1e: {  	[sflag:s6] =	ssyncadd.s32 $0xFFFFFE00  }
0x1f: {  	s7 =	simm.s32 $0x40;
	s8 =	simm.s32 $0x200;
	[bflag:$0x0] =	sbarrier.arrive $0xFFFF  }
0x20: {  	[tilespmem:s8], [sflag:$0x2] =	stream.indirect.gather [spmem:s2], $0x80, s3, s7, $0xb8;
	[tilespmem:$0x12200] =	vst v63  }
0x21: {  	s9 =	simm.s32 $0x2200  }
0x22: {  	[tilespmem:s9], [sflag:$0x3] =	stream.indirect.gather [spmem:s2], $0x80, s7, s7, $0xb8;
	[tilespmem:$0x12200] =	vst v63  }
0x23: {  	s26 =	simm.s32 $0x80;
	s11 =	simm.s32 $0x4200  }
0x24: {  	[tilespmem:s11], [sflag:$0x4] =	stream.indirect.gather [spmem:s2], $0x80, s26, s7, $0xb8;
	[tilespmem:$0x12200] =	vst v63  }
0x25: {  	s10 =	simm.s32 $0xC0;
	s13 =	simm.s32 $0x6200  }
0x26: {  	[tilespmem:s13], [sflag:$0x5] =	stream.indirect.gather [spmem:s2], $0x80, s10, s7, $0xb8;
	[tilespmem:$0x12200] =	vst v63  }
0x27: {  	s12 =	simm.s32 $0x100;
	s15 =	simm.s32 $0x8200  }
0x28: {  	[tilespmem:s15], [sflag:$0x6] =	stream.indirect.gather [spmem:s2], $0x80, s12, s7, $0xb8;
	[tilespmem:$0x12200] =	vst v63  }
0x29: {  	s17 =	simm.s32 $0xA200;
	s16 =	simm.s32 $0x140  }
0x2a: {  	[tilespmem:s17], [sflag:$0x7] =	stream.indirect.gather [spmem:s2], $0x80, s16, s7, $0xb8;
	[tilespmem:$0x12200] =	vst v63  }
0x2b: {  	s18 =	simm.s32 $0x180;
	s19 =	simm.s32 $0xC200  }
0x2c: {  	[tilespmem:s19], [sflag:$0x8] =	stream.indirect.gather [spmem:s2], $0x80, s18, s7, $0xb8;
	[tilespmem:$0x12200] =	vst v63  }
0x2d: {  	s20 =	simm.s32 $0x1C0;
	s21 =	simm.s32 $0xE200;
	s22 =	simm.s32 $0x2  }
0x2e: {  	[tilespmem:s21], [sflag:$0x9] =	stream.indirect.gather [spmem:s2], $0x80, s20, s7, $0xb8;
	[tilespmem:$0x12200] =	vst v63  }
0x2f: {  	_ =	swait.ge [sflag:s22], $0x2000  }
0x30: {  	[sflag:s22] =	ssyncset.done $0x0  }
0x31: {  	s23 =	simm.s32 $0x3;
	[sflag:s22] =	ssyncadd.s32 $0xFFFFE000  }
0x32: {  	[hbm4b:s4+s3] =	stream.linear.scatter [tilespmem:s8], [sflag:$0xA], $0x2000, $0x38;
	[tilespmem:$0x12200] =	vst v63  }
0x33: {  	_ =	swait.ge [sflag:s23], $0x2000  }
0x34: {  	[sflag:s23] =	ssyncset.done $0x0  }
0x35: {  	s24 =	rddreg [dreg:$0x8];
	[sflag:s23] =	ssyncadd.s32 $0xFFFFE000  }
0x36: {  	[hbm4b:s24+s3] =	stream.linear.scatter [tilespmem:s9], [sflag:$0xA], $0x2000, $0x38;
	[tilespmem:$0x12200] =	vst v63  }
0x37: {  	s24 =	simm.s32 $0x4  }
0x38: {  	_ =	swait.ge [sflag:s24], $0x2000  }
0x39: {  	[sflag:s24] =	ssyncset.done $0x0  }
0x3a: {  	s25 =	rddreg [dreg:$0x9];
	[sflag:s24] =	ssyncadd.s32 $0xFFFFE000  }
0x3b: {  	[hbm4b:s25+s3] =	stream.linear.scatter [tilespmem:s11], [sflag:$0xA], $0x2000, $0x38;
	[tilespmem:$0x12200] =	vst v63  }
0x3c: {  	s25 =	simm.s32 $0x5  }
0x3d: {  	_ =	swait.ge [sflag:s25], $0x2000  }
0x3e: {  	[sflag:s25] =	ssyncset.done $0x0  }
0x3f: {  	s26 =	rddreg [dreg:$0xa];
	[sflag:s25] =	ssyncadd.s32 $0xFFFFE000  }
0x40: {  	[hbm4b:s26+s3] =	stream.linear.scatter [tilespmem:s13], [sflag:$0xA], $0x2000, $0x38;
	[tilespmem:$0x12200] =	vst v63  }
0x41: {  	s26 =	simm.s32 $0x6  }
0x42: {  	_ =	swait.ge [sflag:s26], $0x2000  }
0x43: {  	[sflag:s26] =	ssyncset.done $0x0  }
0x44: {  	s28 =	rddreg [dreg:$0xb];
	[sflag:s26] =	ssyncadd.s32 $0xFFFFE000  }
0x45: {  	[hbm4b:s28+s3] =	stream.linear.scatter [tilespmem:s15], [sflag:$0xA], $0x2000, $0x38;
	[tilespmem:$0x12200] =	vst v63  }
0x46: {  	s28 =	simm.s32 $0x7  }
0x47: {  	_ =	swait.ge [sflag:s28], $0x2000  }
0x48: {  	[sflag:s28] =	ssyncset.done $0x0  }
0x49: {  	s29 =	rddreg [dreg:$0xc];
	[sflag:s28] =	ssyncadd.s32 $0xFFFFE000  }
0x4a: {  	[hbm4b:s29+s3] =	stream.linear.scatter [tilespmem:s17], [sflag:$0xA], $0x2000, $0x38;
	[tilespmem:$0x12200] =	vst v63  }
0x4b: {  	s29 =	simm.s32 $0x8  }
0x4c: {  	_ =	swait.ge [sflag:s29], $0x2000  }
0x4d: {  	[sflag:s29] =	ssyncset.done $0x0  }
0x4e: {  	s30 =	rddreg [dreg:$0xd];
	[sflag:s29] =	ssyncadd.s32 $0xFFFFE000  }
0x4f: {  	[hbm4b:s30+s3] =	stream.linear.scatter [tilespmem:s19], [sflag:$0xA], $0x2000, $0x38;
	[tilespmem:$0x12200] =	vst v63  }
0x50: {  	s30 =	simm.s32 $0x9  }
0x51: {  	_ =	swait.ge [sflag:s30], $0x2000  }
0x52: {  	[sflag:s30] =	ssyncset.done $0x0  }
0x53: {  	s31 =	rddreg [dreg:$0xe];
	[sflag:s30] =	ssyncadd.s32 $0xFFFFE000  }
0x54: {  	[hbm4b:s31+s3] =	stream.linear.scatter [tilespmem:s21], [sflag:$0xA], $0x2000, $0x38;
	[tilespmem:$0x12200] =	vst v63  }
0x55: {  	s31 =	simm.s32 $0xA  }
0x56: {  	_ =	swait.ge [sflag:s31], $0x2000  }
0x57: {  	[sflag:s31] =	ssyncset.done $0x0  }
0x58: {  	[sflag:s31] =	ssyncadd.s32 $0xFFFFE000  }
0x59: {  	_ =	swait.ge [sflag:s31], $0x2000  }
0x5a: {  	[sflag:s31] =	ssyncset.done $0x0  }
0x5b: {  	[sflag:s31] =	ssyncadd.s32 $0xFFFFE000  }
0x5c: {  	_ =	swait.ge [sflag:s31], $0x2000  }
0x5d: {  	[sflag:s31] =	ssyncset.done $0x0  }
0x5e: {  	[sflag:s31] =	ssyncadd.s32 $0xFFFFE000  }
0x5f: {  	_ =	swait.ge [sflag:s31], $0x2000  }
0x60: {  	[sflag:s31] =	ssyncset.done $0x0  }
0x61: {  	[sflag:s31] =	ssyncadd.s32 $0xFFFFE000  }
0x62: {  	s1 =	ssub.s32 $0x2, s1;
	_ =	swait.ge [sflag:s31], $0x2000  }
0x63: {  	s14 =	sshrl.u32 s1, $0x1;
	[sflag:s31] =	ssyncset.done $0x0  }
0x64: {  	s0 =	ssub.s32 s1, s14;
	[sflag:s31] =	ssyncadd.s32 $0xFFFFE000  }
0x65: {  	s0 =	smax.u32 s0, $0x1;
	_ =	swait.ge [sflag:s31], $0x2000  }
0x66: {  	p0 =	sne.s32 s0, $0x1;
	[sflag:s31] =	ssyncset.done $0x0  }
.Ltmp0:
0x67: {  	[sflag:s31] =	ssyncadd.s32 $0xFFFFE000;
	(pc) =	sbr.rel @!p0 .LBB2_2-.Ltmp0, $4  }
0x68: {  	_ =	swait.ge [sflag:s31], $0x2000  }
0x69: {  	[sflag:s31] =	ssyncset.done $0x0  }
0x6a: {  	[sflag:s31] =	ssyncadd.s32 $0xFFFFE000  }
0x6b: {  	s1 =	sadd.s32 $0xFFFFFFFF, s0;
	_ =	swait.ge [sflag:s31], $0x2000  }
.LBB2_1:
0x6c: {  	s0 =	rddreg [dreg:$0x7]  }
0x6d: {  	s10 =	rddreg [dreg:$0x6]  }
0x6e: {  	[sflag:s31] =	ssyncset.done $0x0;
	s12 =	rddreg [dreg:$0x5]  }
0x6f: {  	s14 =	rddreg [dreg:$0xf];
	[sflag:s31] =	ssyncadd.s32 $0xFFFFE000  }
0x70: {  	[tilespmem:s3], [sflag:$0x1] =	stream.linear.gather [hbm4b:s12+s3], $0x200, $0x38;
	[tilespmem:$0x12200] =	vst v63  }
0x71: {  	[spmem:s14], [sflag:s0] =	dma.local [hbm:s10], $0x400  }
0x72: {  	_ =	swait.ge [sflag:s5], $0x400  }
0x73: {  	[sflag:s5] =	ssyncset.done $0x0  }
0x74: {  	[sflag:s5] =	ssyncadd.s32 $0xFFFFFC00  }
0x75: {  	_ =	swait.ge [sflag:s6], $0x200  }
0x76: {  	[sflag:s6] =	ssyncset.done $0x0  }
0x77: {  	[sflag:s6] =	ssyncadd.s32 $0xFFFFFE00  }
0x78: {  	[bflag:$0x0] =	sbarrier.arrive $0xFFFF  }
0x79: {  	[tilespmem:s8], [sflag:$0x2] =	stream.indirect.gather [spmem:s2], $0x80, s3, s7, $0xb8;
	[tilespmem:$0x12200] =	vst v63  }
0x7a: {  	_ = 	snop  }
0x7b: {  	[tilespmem:s9], [sflag:$0x3] =	stream.indirect.gather [spmem:s2], $0x80, s7, s7, $0xb8;
	[tilespmem:$0x12200] =	vst v63  }
0x7c: {  	s14 =	simm.s32 $0x80  }
0x7d: {  	[tilespmem:s11], [sflag:$0x4] =	stream.indirect.gather [spmem:s2], $0x80, s14, s7, $0xb8;
	[tilespmem:$0x12200] =	vst v63  }
0x7e: {  	s10 =	simm.s32 $0xC0  }
0x7f: {  	[tilespmem:s13], [sflag:$0x5] =	stream.indirect.gather [spmem:s2], $0x80, s10, s7, $0xb8;
	[tilespmem:$0x12200] =	vst v63  }
0x80: {  	s12 =	simm.s32 $0x100  }
0x81: {  	[tilespmem:s15], [sflag:$0x6] =	stream.indirect.gather [spmem:s2], $0x80, s12, s7, $0xb8;
	[tilespmem:$0x12200] =	vst v63  }
0x82: {  	_ = 	snop  }
0x83: {  	[tilespmem:s17], [sflag:$0x7] =	stream.indirect.gather [spmem:s2], $0x80, s16, s7, $0xb8;
	[tilespmem:$0x12200] =	vst v63  }
0x84: {  	_ = 	snop  }
0x85: {  	[tilespmem:s19], [sflag:$0x8] =	stream.indirect.gather [spmem:s2], $0x80, s18, s7, $0xb8;
	[tilespmem:$0x12200] =	vst v63  }
0x86: {  	_ = 	snop  }
0x87: {  	[tilespmem:s21], [sflag:$0x9] =	stream.indirect.gather [spmem:s2], $0x80, s20, s7, $0xb8;
	[tilespmem:$0x12200] =	vst v63  }
0x88: {  	_ =	swait.ge [sflag:s22], $0x2000  }
0x89: {  	[sflag:s22] =	ssyncset.done $0x0  }
0x8a: {  	[sflag:s22] =	ssyncadd.s32 $0xFFFFE000  }
0x8b: {  	[hbm4b:s4+s3] =	stream.linear.scatter [tilespmem:s8], [sflag:$0xA], $0x2000, $0x38;
	[tilespmem:$0x12200] =	vst v63  }
0x8c: {  	_ =	swait.ge [sflag:s23], $0x2000  }
0x8d: {  	[sflag:s23] =	ssyncset.done $0x0  }
0x8e: {  	s14 =	rddreg [dreg:$0x8];
	[sflag:s23] =	ssyncadd.s32 $0xFFFFE000  }
0x8f: {  	[hbm4b:s14+s3] =	stream.linear.scatter [tilespmem:s9], [sflag:$0xA], $0x2000, $0x38;
	[tilespmem:$0x12200] =	vst v63  }
0x90: {  	_ =	swait.ge [sflag:s24], $0x2000  }
0x91: {  	[sflag:s24] =	ssyncset.done $0x0  }
0x92: {  	s10 =	rddreg [dreg:$0x9];
	[sflag:s24] =	ssyncadd.s32 $0xFFFFE000  }
0x93: {  	[hbm4b:s10+s3] =	stream.linear.scatter [tilespmem:s11], [sflag:$0xA], $0x2000, $0x38;
	[tilespmem:$0x12200] =	vst v63  }
0x94: {  	_ =	swait.ge [sflag:s25], $0x2000  }
0x95: {  	[sflag:s25] =	ssyncset.done $0x0  }
0x96: {  	s12 =	rddreg [dreg:$0xa];
	[sflag:s25] =	ssyncadd.s32 $0xFFFFE000  }
0x97: {  	[hbm4b:s12+s3] =	stream.linear.scatter [tilespmem:s13], [sflag:$0xA], $0x2000, $0x38;
	[tilespmem:$0x12200] =	vst v63  }
0x98: {  	_ =	swait.ge [sflag:s26], $0x2000  }
0x99: {  	[sflag:s26] =	ssyncset.done $0x0  }
0x9a: {  	s14 =	rddreg [dreg:$0xb];
	[sflag:s26] =	ssyncadd.s32 $0xFFFFE000  }
0x9b: {  	[hbm4b:s14+s3] =	stream.linear.scatter [tilespmem:s15], [sflag:$0xA], $0x2000, $0x38;
	[tilespmem:$0x12200] =	vst v63  }
0x9c: {  	_ =	swait.ge [sflag:s28], $0x2000  }
0x9d: {  	[sflag:s28] =	ssyncset.done $0x0  }
0x9e: {  	s10 =	rddreg [dreg:$0xc];
	[sflag:s28] =	ssyncadd.s32 $0xFFFFE000  }
0x9f: {  	[hbm4b:s10+s3] =	stream.linear.scatter [tilespmem:s17], [sflag:$0xA], $0x2000, $0x38;
	[tilespmem:$0x12200] =	vst v63  }
0xa0: {  	_ =	swait.ge [sflag:s29], $0x2000  }
0xa1: {  	[sflag:s29] =	ssyncset.done $0x0  }
0xa2: {  	s12 =	rddreg [dreg:$0xd];
	[sflag:s29] =	ssyncadd.s32 $0xFFFFE000  }
0xa3: {  	[hbm4b:s12+s3] =	stream.linear.scatter [tilespmem:s19], [sflag:$0xA], $0x2000, $0x38;
	[tilespmem:$0x12200] =	vst v63  }
0xa4: {  	_ =	swait.ge [sflag:s30], $0x2000  }
0xa5: {  	[sflag:s30] =	ssyncset.done $0x0  }
0xa6: {  	s14 =	rddreg [dreg:$0xe];
	[sflag:s30] =	ssyncadd.s32 $0xFFFFE000  }
0xa7: {  	[hbm4b:s14+s3] =	stream.linear.scatter [tilespmem:s21], [sflag:$0xA], $0x2000, $0x38;
	[tilespmem:$0x12200] =	vst v63  }
0xa8: {  	_ =	swait.ge [sflag:s31], $0x2000  }
0xa9: {  	[sflag:s31] =	ssyncset.done $0x0  }
0xaa: {  	[sflag:s31] =	ssyncadd.s32 $0xFFFFE000  }
0xab: {  	_ =	swait.ge [sflag:s31], $0x2000  }
0xac: {  	[sflag:s31] =	ssyncset.done $0x0  }
0xad: {  	[sflag:s31] =	ssyncadd.s32 $0xFFFFE000  }
0xae: {  	_ =	swait.ge [sflag:s31], $0x2000  }
0xaf: {  	[sflag:s31] =	ssyncset.done $0x0  }
0xb0: {  	[sflag:s31] =	ssyncadd.s32 $0xFFFFE000  }
0xb1: {  	_ =	swait.ge [sflag:s31], $0x2000  }
0xb2: {  	[sflag:s31] =	ssyncset.done $0x0  }
0xb3: {  	[sflag:s31] =	ssyncadd.s32 $0xFFFFE000  }
0xb4: {  	_ =	swait.ge [sflag:s31], $0x2000  }
0xb5: {  	[sflag:s31] =	ssyncset.done $0x0  }
0xb6: {  	[sflag:s31] =	ssyncadd.s32 $0xFFFFE000  }
0xb7: {  	_ =	swait.ge [sflag:s31], $0x2000  }
0xb8: {  	p0 =	sne.s32 s1, $0x1;
	[sflag:s31] =	ssyncset.done $0x0  }
.Ltmp1:
0xb9: {  	[sflag:s31] =	ssyncadd.s32 $0xFFFFE000;
	(pc) =	sbr.rel @p0 .LBB2_1-.Ltmp1, $4  }
0xba: {  	_ =	swait.ge [sflag:s31], $0x2000  }
0xbb: {  	[sflag:s31] =	ssyncset.done $0x0  }
0xbc: {  	[sflag:s31] =	ssyncadd.s32 $0xFFFFE000  }
0xbd: {  	s1 =	sadd.s32 $0xFFFFFFFF, s1;
	_ =	swait.ge [sflag:s31], $0x2000  }
.LBB2_2:
0xbe: {  	[sflag:s31] =	ssyncset.done $0x0  }
0xbf: {  	[sflag:s31] =	ssyncadd.s32 $0xFFFFE000  }
0xc0: {  	_ =	sfence.sel $0x180000  }
0xc1: {  	[bflag:$0x0] =	sbarrier.arrive $0xFFFF  }
0xc2: {  	_ =	strace $0x90000047  }
0xc3: {  	s0 =	stileid.u32;
	[bflag:$0x2] =	sbarrier.arrive $0xFFFF  }
0xc4: {  	p0 =	sne.s32 s0, $0x0;
	s0 =	rddreg [dreg:$0x4]  }
0xc5: {  	s0 =	sadd.s32 @!p0 $0x100000, s0  }
0xc6: {  	[sflag:s0] =	ssyncadd.tile.s32 @!p0 $0x1;
	_ =	shalt  }
.Lfunc_end2:
_tile_overlayer_lowered:
.L_overlay_start_2:
0xc7: {  	(tag) =	ssettag $0x2  }
0xc8: {  	s0 =	rddreg [dreg:$0x0];
	s2 =	stileid.u32  }
0xc9: {  	s1 =	rddreg [dreg:$0x1];
	p0 =	sne.s32 s2, $0x0  }
0xca: {  	s3 =	rddreg [dreg:$0x2];
	[bflag:$0x3] =	sbarrier.arrive $0xFFFF;
	s2 =	simm.s32 @!p0 $0x1C0B  }
0xcb: {  	[timem:s3], [sflag:s2] =	dma.local @!p0 [hbm:s0], s1  }
0xcc: {  	s0 =	simm.s32 @!p0 $0xB  }
0xcd: {  	_ =	swait.ge @!p0 [sflag:s0], s1  }
0xce: {  	s1 =	ssub.s32 @!p0 $0x0, s1;
	[sflag:s0] =	ssyncset.done @!p0 $0x0  }
0xcf: {  	[sflag:s0] =	ssyncadd.s32 @!p0 s1  }
0xd0: {  	[bflag:$0x3] =	sbarrier.arrive $0xFFFF  }
0xd1: {  	_ =	shalt  }

</sc_bundles>
